<compile_context>
chip_gen: v7x
topology: tpu7x:2x2x1
jax: 0.10.2.dev20260603
libtpu: 0.0.44.dev20260713+nightly
codegen_flags: <defaults>
</compile_context>

<pallas_src>
import functools

import jax
import jax.numpy as jnp
from jax import lax
from jax.experimental import pallas as pl
from jax.experimental.pallas import tpu as pltpu
from jax.experimental.pallas import tpu_sc as plsc


_H = 32
_N = 256
_WS = 16
_NB = 2 * _WS - 1
_NBINS = _NB * _NB
_HG = 8
_NHG = _H // _HG
_NSL = 32 // _NHG
_RPW = _N // _NSL
_RSUB = 8
_NSUB = _RPW // _RSUB
_PVS = _RSUB * (_N // 16)


def _body(tab_hbm, out_hbm, tab_v, b0, b1, s0, s1):
    wid = lax.axis_index("s") * 2 + lax.axis_index("c")
    h0 = (wid % _NHG) * _HG
    row0 = (wid // _NHG) * _RPW

    pltpu.sync_copy(tab_hbm.at[pl.ds(h0 * _NBINS, _HG * _NBINS)], tab_v)

    lane = lax.iota(jnp.int32, 16)

    bufs = (b0, b1)
    sems = (s0, s1)
    copies = [None, None]
    for sub in range(_NSUB):
        buf = bufs[sub % 2]
        if copies[sub % 2] is not None:
            copies[sub % 2].wait()

        @plsc.parallel_loop(0, _PVS, unroll=2)
        def fill(pv, sub=sub, buf=buf):
            r = pv // (_N // 16)
            rj = pv % (_N // 16)
            off = rj * 16
            gri = row0 + sub * _RSUB + r
            ri = gri // _WS
            ci = gri % _WS
            base = _NB * (ri - rj + _WS - 1) + ci + _WS - 1
            iv = base - lane
            for h in range(_HG):
                buf[h, r, pl.ds(off, 16)] = plsc.load_gather(
                    tab_v, [iv + h * _NBINS]
                )

        dst = out_hbm.at[
            pl.ds(h0, _HG), pl.ds(row0 + sub * _RSUB, _RSUB), :
        ]
        copies[sub % 2] = pltpu.async_copy(buf, dst, sems[sub % 2])

    for c in copies:
        if c is not None:
            c.wait()


def _gather_all(tab_t):
    mesh = plsc.VectorSubcoreMesh(core_axis_name="c", subcore_axis_name="s")
    run = functools.partial(
        pl.kernel,
        mesh=mesh,
        out_type=jax.ShapeDtypeStruct((_H, _N, _N), jnp.float32),
        scratch_types=[
            pltpu.VMEM((_HG * _NBINS,), jnp.float32),
            pltpu.VMEM((_HG, _RSUB, _N), jnp.float32),
            pltpu.VMEM((_HG, _RSUB, _N), jnp.float32),
            pltpu.SemaphoreType.DMA,
            pltpu.SemaphoreType.DMA,
        ],
        compiler_params=pltpu.CompilerParams(needs_layout_passes=False),
    )(_body)
    return run(tab_t)


def kernel(relative_position_bias_table, relative_position_index):
    del relative_position_index
    tab_t = relative_position_bias_table.T.reshape(-1)
    return _gather_all(tab_t)

# --- scband reference (transcript-rebuilt; emitter-appended) ---
"""Pipeline reference for scband-relative-position-bias-53145925320753 (READ-ONLY COPY).

The authoritative reference and input builder live on the scoring server;
editing this copy changes nothing except your own understanding.
"""

import jax, jax.numpy as jnp
import numpy as np

WINDOW_SIZE = 16
NUM_HEADS = 32


def _make_relative_position_index(ws: int) -> np.ndarray:
    coords = np.stack(np.meshgrid(np.arange(ws), np.arange(ws), indexing='ij'))  # [2, ws, ws]
    coords_flat = coords.reshape(2, -1)  # [2, ws*ws]
    relative_coords = coords_flat[:, :, None] - coords_flat[:, None, :]  # [2, N, N]
    relative_coords = relative_coords.transpose(1, 2, 0).copy()  # [N, N, 2]
    relative_coords[:, :, 0] += ws - 1
    relative_coords[:, :, 1] += ws - 1
    relative_coords[:, :, 0] *= 2 * ws - 1
    relative_position_index = relative_coords.sum(-1)  # [N, N]
    return relative_position_index.astype(np.int32)


def setup_inputs(seed: int = 0) -> dict:
    key = jax.random.key(seed)
    table = jax.random.normal(
        key, ((2 * WINDOW_SIZE - 1) * (2 * WINDOW_SIZE - 1), NUM_HEADS), dtype=jnp.float32
    ) * 0.02  # trunc_normal(std=0.02) approx
    rel_index = jnp.asarray(_make_relative_position_index(WINDOW_SIZE))
    return {"relative_position_bias_table": table, "relative_position_index": rel_index}


def reference(relative_position_bias_table, relative_position_index):
    n = relative_position_index.shape[0]  # ws*ws
    flat_idx = relative_position_index.reshape(-1)  # [N*N]
    bias = jnp.take(relative_position_bias_table, flat_idx, axis=0)  # [N*N, H]
    bias = bias.reshape(n, n, -1)
    bias = jnp.transpose(bias, (2, 0, 1))  # [H, N, N]
    return bias

if __name__ == "__main__":
    import jax
    _d = setup_inputs()
    print(jax.jit(kernel)(*tuple(_d.values())))

</pallas_src>

<mosaic_0001>
#map = affine_map<(d0, d1) -> (0)>
#map1 = affine_map<(d0, d1) -> (0, 0, 0)>
module attributes {stable_mosaic.version = 14 : i64} {
  func.func @_body(%arg0: i32, %arg1: i32, %arg2: memref<30752xf32, #tpu.memory_space<hbm>>, %arg3: memref<32x256x256xf32, #tpu.memory_space<hbm>>, %arg4: memref<7688xf32, #tpu.memory_space<vmem>>, %arg5: memref<8x8x256xf32, #tpu.memory_space<vmem>>, %arg6: memref<8x8x256xf32, #tpu.memory_space<vmem>>, %arg7: memref<!tpu.dma_semaphore, #tpu.memory_space<semaphore_mem>>, %arg8: memref<!tpu.dma_semaphore, #tpu.memory_space<semaphore_mem>>) attributes {dimension_semantics = [#tpu.dimension_semantics<core_parallel>, #tpu.dimension_semantics<subcore_parallel>], iteration_bounds = array<i64: 2, 16>, scalar_prefetch = 0 : i64, scratch_operands = 5 : i64, tpu.core_type = #tpu.core_type<sc_vector_subcore>, window_params = [{transform_indices = #map}, {transform_indices = #map1}]} {
    %mul3A = arith.constant 2 : i32
    %mul3A_0 = arith.muli %arg1, %mul3A : i32
    %add3A = arith.addi %mul3A_0, %arg0 : i32
    %jit3A = arith.constant 4 : i32
    %eq3A = arith.constant 0 : i32
    %eq3A_1 = arith.cmpi eq, %jit3A, %eq3A : i32
    %jit3A_2 = arith.constant 1 : i32
    %select_n3A = arith.select %eq3A_1, %jit3A_2, %jit3A : i32
    %rem3A = arith.remsi %add3A, %select_n3A : i32
    %ne3A = arith.constant 0 : i32
    %ne3A_3 = arith.cmpi ne, %rem3A, %ne3A : i32
    %lt3A = arith.constant 0 : i32
    %lt3A_4 = arith.cmpi slt, %rem3A, %lt3A : i32
    %lt3A_5 = arith.constant 0 : i32
    %lt3A_6 = arith.cmpi slt, %select_n3A, %lt3A_5 : i32
    %ne3A_7 = arith.xori %lt3A_4, %lt3A_6 : i1
    %and3A = arith.andi %ne3A_7, %ne3A_3 : i1
    %add3A_8 = arith.addi %rem3A, %select_n3A : i32
    %select_n3A_9 = arith.select %and3A, %add3A_8, %rem3A : i32
    %mul3A_10 = arith.constant 8 : i32
    %mul3A_11 = arith.muli %select_n3A_9, %mul3A_10 : i32
    %jit3A_12 = arith.constant 4 : i32
    %div3A = arith.divsi %add3A, %jit3A_12 : i32
    %sign3A = arith.constant 0 : i32
    %sign3A_13 = arith.cmpi sgt, %add3A, %sign3A : i32
    %sign3A_14 = arith.extui %sign3A_13 : i1 to i32
    %sign3A_15 = arith.constant 0 : i32
    %sign3A_16 = arith.cmpi slt, %add3A, %sign3A_15 : i32
    %sign3A_17 = arith.extui %sign3A_16 : i1 to i32
    %sign3A_18 = arith.subi %sign3A_14, %sign3A_17 : i32
    %sign3A_19 = arith.constant 0 : i32
    %sign3A_20 = arith.cmpi sgt, %jit3A_12, %sign3A_19 : i32
    %sign3A_21 = arith.extui %sign3A_20 : i1 to i32
    %sign3A_22 = arith.constant 0 : i32
    %sign3A_23 = arith.cmpi slt, %jit3A_12, %sign3A_22 : i32
    %sign3A_24 = arith.extui %sign3A_23 : i1 to i32
    %sign3A_25 = arith.subi %sign3A_21, %sign3A_24 : i32
    %ne3A_26 = arith.cmpi ne, %sign3A_18, %sign3A_25 : i32
    %rem3A_27 = arith.remsi %add3A, %jit3A_12 : i32
    %ne3A_28 = arith.constant 0 : i32
    %ne3A_29 = arith.cmpi ne, %rem3A_27, %ne3A_28 : i32
    %and3A_30 = arith.andi %ne3A_26, %ne3A_29 : i1
    %sub3A = arith.constant 1 : i32
    %sub3A_31 = arith.subi %div3A, %sub3A : i32
    %select_n3A_32 = arith.select %and3A_30, %sub3A_31, %div3A : i32
    %mul3A_33 = arith.constant 32 : i32
    %mul3A_34 = arith.muli %select_n3A_32, %mul3A_33 : i32
    %mul3A_35 = arith.constant 961 : i32
    %mul3A_36 = arith.muli %mul3A_11, %mul3A_35 : i32
    "tpu.region"() ({
      %run_scoped3A = tpu.sem_alloc : memref<!tpu.dma_semaphore, #tpu.memory_space<semaphore_mem>>
      %dma_start3A_86 = tpu.memref_slice %arg2[%mul3A_36] : memref<30752xf32, #tpu.memory_space<hbm>> -> memref<7688xf32, #tpu.memory_space<hbm>>
      %dma_start3A_87 = tpu.memref_slice %arg2[%mul3A_36] : memref<30752xf32, #tpu.memory_space<hbm>> -> memref<7688xf32, #tpu.memory_space<hbm>>
      tpu.enqueue_dma source(%dma_start3A_87 : memref<7688xf32, #tpu.memory_space<hbm>>) target(%arg4 : memref<7688xf32, #tpu.memory_space<vmem>>) target_semaphore(%run_scoped3A : memref<!tpu.dma_semaphore, #tpu.memory_space<semaphore_mem>>)
      %dma_wait3A_88 = tpu.memref_slice %arg2[%mul3A_36] : memref<30752xf32, #tpu.memory_space<hbm>> -> memref<7688xf32, #tpu.memory_space<hbm>>
      %dma_wait3A_89 = tpu.memref_slice %arg2[%mul3A_36] : memref<30752xf32, #tpu.memory_space<hbm>> -> memref<7688xf32, #tpu.memory_space<hbm>>
      tpu.wait_dma2 semaphore(%run_scoped3A : memref<!tpu.dma_semaphore, #tpu.memory_space<semaphore_mem>>) src(%dma_wait3A_89 : memref<7688xf32, #tpu.memory_space<hbm>>) dst(%arg4 : memref<7688xf32, #tpu.memory_space<vmem>>)
      tpu.yield
    }) : () -> ()
    %iota3A = tpu.iota {dimensions = array<i32: 0>} : vector<16xi32>
    %parallel_loop3A = arith.constant 0 : i32
    %parallel_loop3A_37 = arith.constant 128 : i32
    %parallel_loop3A_38 = arith.constant 1 : i32
    scf.for %parallel_loop3A_86 = %parallel_loop3A to %parallel_loop3A_37 step %parallel_loop3A_38  : i32 {
      %parallel_loop3A_87 = arith.constant 16 : i32
      %parallel_loop3A_88 = arith.divsi %parallel_loop3A_86, %parallel_loop3A_87 : i32
      %parallel_loop3A_89 = arith.constant 0 : i32
      %parallel_loop3A_90 = arith.cmpi sgt, %parallel_loop3A_86, %parallel_loop3A_89 : i32
      %parallel_loop3A_91 = arith.extui %parallel_loop3A_90 : i1 to i32
      %parallel_loop3A_92 = arith.constant 0 : i32
      %parallel_loop3A_93 = arith.cmpi slt, %parallel_loop3A_86, %parallel_loop3A_92 : i32
      %parallel_loop3A_94 = arith.extui %parallel_loop3A_93 : i1 to i32
      %parallel_loop3A_95 = arith.subi %parallel_loop3A_91, %parallel_loop3A_94 : i32
      %parallel_loop3A_96 = arith.constant 0 : i32
      %parallel_loop3A_97 = arith.cmpi sgt, %parallel_loop3A_87, %parallel_loop3A_96 : i32
      %parallel_loop3A_98 = arith.extui %parallel_loop3A_97 : i1 to i32
      %parallel_loop3A_99 = arith.constant 0 : i32
      %parallel_loop3A_100 = arith.cmpi slt, %parallel_loop3A_87, %parallel_loop3A_99 : i32
      %parallel_loop3A_101 = arith.extui %parallel_loop3A_100 : i1 to i32
      %parallel_loop3A_102 = arith.subi %parallel_loop3A_98, %parallel_loop3A_101 : i32
      %parallel_loop3A_103 = arith.cmpi ne, %parallel_loop3A_95, %parallel_loop3A_102 : i32
      %parallel_loop3A_104 = arith.remsi %parallel_loop3A_86, %parallel_loop3A_87 : i32
      %parallel_loop3A_105 = arith.constant 0 : i32
      %parallel_loop3A_106 = arith.cmpi ne, %parallel_loop3A_104, %parallel_loop3A_105 : i32
      %parallel_loop3A_107 = arith.andi %parallel_loop3A_103, %parallel_loop3A_106 : i1
      %parallel_loop3A_108 = arith.constant 1 : i32
      %parallel_loop3A_109 = arith.subi %parallel_loop3A_88, %parallel_loop3A_108 : i32
      %parallel_loop3A_110 = arith.select %parallel_loop3A_107, %parallel_loop3A_109, %parallel_loop3A_88 : i32
      %parallel_loop3A_111 = arith.constant 16 : i32
      %parallel_loop3A_112 = arith.constant 0 : i32
      %parallel_loop3A_113 = arith.cmpi eq, %parallel_loop3A_111, %parallel_loop3A_112 : i32
      %parallel_loop3A_114 = arith.constant 1 : i32
      %parallel_loop3A_115 = arith.select %parallel_loop3A_113, %parallel_loop3A_114, %parallel_loop3A_111 : i32
      %parallel_loop3A_116 = arith.remsi %parallel_loop3A_86, %parallel_loop3A_115 : i32
      %parallel_loop3A_117 = arith.constant 0 : i32
      %parallel_loop3A_118 = arith.cmpi ne, %parallel_loop3A_116, %parallel_loop3A_117 : i32
      %parallel_loop3A_119 = arith.constant 0 : i32
      %parallel_loop3A_120 = arith.cmpi slt, %parallel_loop3A_116, %parallel_loop3A_119 : i32
      %parallel_loop3A_121 = arith.constant 0 : i32
      %parallel_loop3A_122 = arith.cmpi slt, %parallel_loop3A_115, %parallel_loop3A_121 : i32
      %parallel_loop3A_123 = arith.xori %parallel_loop3A_120, %parallel_loop3A_122 : i1
      %parallel_loop3A_124 = arith.andi %parallel_loop3A_123, %parallel_loop3A_118 : i1
      %parallel_loop3A_125 = arith.addi %parallel_loop3A_116, %parallel_loop3A_115 : i32
      %parallel_loop3A_126 = arith.select %parallel_loop3A_124, %parallel_loop3A_125, %parallel_loop3A_116 : i32
      %parallel_loop3A_127 = arith.constant 16 : i32
      %parallel_loop3A_128 = arith.muli %parallel_loop3A_126, %parallel_loop3A_127 : i32
      %parallel_loop3A_129 = arith.constant 0 : i32
      %parallel_loop3A_130 = arith.addi %mul3A_34, %parallel_loop3A_129 : i32
      %parallel_loop3A_131 = arith.addi %parallel_loop3A_130, %parallel_loop3A_110 : i32
      %parallel_loop3A_132 = arith.constant 16 : i32
      %parallel_loop3A_133 = arith.divsi %parallel_loop3A_131, %parallel_loop3A_132 : i32
      %parallel_loop3A_134 = arith.constant 0 : i32
      %parallel_loop3A_135 = arith.cmpi sgt, %parallel_loop3A_131, %parallel_loop3A_134 : i32
      %parallel_loop3A_136 = arith.extui %parallel_loop3A_135 : i1 to i32
      %parallel_loop3A_137 = arith.constant 0 : i32
      %parallel_loop3A_138 = arith.cmpi slt, %parallel_loop3A_131, %parallel_loop3A_137 : i32
      %parallel_loop3A_139 = arith.extui %parallel_loop3A_138 : i1 to i32
      %parallel_loop3A_140 = arith.subi %parallel_loop3A_136, %parallel_loop3A_139 : i32
      %parallel_loop3A_141 = arith.constant 0 : i32
      %parallel_loop3A_142 = arith.cmpi sgt, %parallel_loop3A_132, %parallel_loop3A_141 : i32
      %parallel_loop3A_143 = arith.extui %parallel_loop3A_142 : i1 to i32
      %parallel_loop3A_144 = arith.constant 0 : i32
      %parallel_loop3A_145 = arith.cmpi slt, %parallel_loop3A_132, %parallel_loop3A_144 : i32
      %parallel_loop3A_146 = arith.extui %parallel_loop3A_145 : i1 to i32
      %parallel_loop3A_147 = arith.subi %parallel_loop3A_143, %parallel_loop3A_146 : i32
      %parallel_loop3A_148 = arith.cmpi ne, %parallel_loop3A_140, %parallel_loop3A_147 : i32
      %parallel_loop3A_149 = arith.remsi %parallel_loop3A_131, %parallel_loop3A_132 : i32
      %parallel_loop3A_150 = arith.constant 0 : i32
      %parallel_loop3A_151 = arith.cmpi ne, %parallel_loop3A_149, %parallel_loop3A_150 : i32
      %parallel_loop3A_152 = arith.andi %parallel_loop3A_148, %parallel_loop3A_151 : i1
      %parallel_loop3A_153 = arith.constant 1 : i32
      %parallel_loop3A_154 = arith.subi %parallel_loop3A_133, %parallel_loop3A_153 : i32
      %parallel_loop3A_155 = arith.select %parallel_loop3A_152, %parallel_loop3A_154, %parallel_loop3A_133 : i32
      %parallel_loop3A_156 = arith.constant 16 : i32
      %parallel_loop3A_157 = arith.constant 0 : i32
      %parallel_loop3A_158 = arith.cmpi eq, %parallel_loop3A_156, %parallel_loop3A_157 : i32
      %parallel_loop3A_159 = arith.constant 1 : i32
      %parallel_loop3A_160 = arith.select %parallel_loop3A_158, %parallel_loop3A_159, %parallel_loop3A_156 : i32
      %parallel_loop3A_161 = arith.remsi %parallel_loop3A_131, %parallel_loop3A_160 : i32
      %parallel_loop3A_162 = arith.constant 0 : i32
      %parallel_loop3A_163 = arith.cmpi ne, %parallel_loop3A_161, %parallel_loop3A_162 : i32
      %parallel_loop3A_164 = arith.constant 0 : i32
      %parallel_loop3A_165 = arith.cmpi slt, %parallel_loop3A_161, %parallel_loop3A_164 : i32
      %parallel_loop3A_166 = arith.constant 0 : i32
      %parallel_loop3A_167 = arith.cmpi slt, %parallel_loop3A_160, %parallel_loop3A_166 : i32
      %parallel_loop3A_168 = arith.xori %parallel_loop3A_165, %parallel_loop3A_167 : i1
      %parallel_loop3A_169 = arith.andi %parallel_loop3A_168, %parallel_loop3A_163 : i1
      %parallel_loop3A_170 = arith.addi %parallel_loop3A_161, %parallel_loop3A_160 : i32
      %parallel_loop3A_171 = arith.select %parallel_loop3A_169, %parallel_loop3A_170, %parallel_loop3A_161 : i32
      %parallel_loop3A_172 = arith.subi %parallel_loop3A_155, %parallel_loop3A_126 : i32
      %parallel_loop3A_173 = arith.constant 16 : i32
      %parallel_loop3A_174 = arith.addi %parallel_loop3A_172, %parallel_loop3A_173 : i32
      %parallel_loop3A_175 = arith.constant 1 : i32
      %parallel_loop3A_176 = arith.subi %parallel_loop3A_174, %parallel_loop3A_175 : i32
      %parallel_loop3A_177 = arith.constant 31 : i32
      %parallel_loop3A_178 = arith.muli %parallel_loop3A_177, %parallel_loop3A_176 : i32
      %parallel_loop3A_179 = arith.addi %parallel_loop3A_178, %parallel_loop3A_171 : i32
      %parallel_loop3A_180 = arith.constant 16 : i32
      %parallel_loop3A_181 = arith.addi %parallel_loop3A_179, %parallel_loop3A_180 : i32
      %parallel_loop3A_182 = arith.constant 1 : i32
      %parallel_loop3A_183 = arith.subi %parallel_loop3A_181, %parallel_loop3A_182 : i32
      %parallel_loop3A_184 = vector.broadcast %parallel_loop3A_183 : i32 to vector<16xi32>
      %parallel_loop3A_185 = arith.subi %parallel_loop3A_184, %iota3A : vector<16xi32>
      %parallel_loop3A_186 = arith.constant 0 : i32
      %parallel_loop3A_187 = vector.broadcast %parallel_loop3A_186 : i32 to vector<16xi32>
      %parallel_loop3A_188 = arith.addi %parallel_loop3A_185, %parallel_loop3A_187 : vector<16xi32>
      %parallel_loop3A_189 = tpu.vector_load_idx %arg4[%parallel_loop3A_188] : memref<7688xf32, #tpu.memory_space<vmem>>[vector<16xi32>], vector<16xf32>,
      %parallel_loop3A_190 = arith.constant 0 : i32
      %parallel_loop3A_191 = arith.index_cast %parallel_loop3A_190 : i32 to index
      %parallel_loop3A_192 = arith.index_cast %parallel_loop3A_110 : i32 to index
      %parallel_loop3A_193 = arith.index_cast %parallel_loop3A_128 : i32 to index
      %parallel_loop3A_194 = tpu.vector_load %arg5[%parallel_loop3A_191, %parallel_loop3A_192, %parallel_loop3A_193] {strides = array<i32>} : memref<8x8x256xf32, #tpu.memory_space<vmem>>, vector<16xf32>,
      tpu.vector_store %arg5[%parallel_loop3A_191, %parallel_loop3A_192, %parallel_loop3A_193], %parallel_loop3A_189 {strides = array<i32>} : memref<8x8x256xf32, #tpu.memory_space<vmem>>, vector<16xf32>,
      %parallel_loop3A_195 = arith.constant 961 : i32
      %parallel_loop3A_196 = vector.broadcast %parallel_loop3A_195 : i32 to vector<16xi32>
      %parallel_loop3A_197 = arith.addi %parallel_loop3A_185, %parallel_loop3A_196 : vector<16xi32>
      %parallel_loop3A_198 = tpu.vector_load_idx %arg4[%parallel_loop3A_197] : memref<7688xf32, #tpu.memory_space<vmem>>[vector<16xi32>], vector<16xf32>,
      %parallel_loop3A_199 = arith.constant 1 : i32
      %parallel_loop3A_200 = arith.index_cast %parallel_loop3A_199 : i32 to index
      %parallel_loop3A_201 = arith.index_cast %parallel_loop3A_110 : i32 to index
      %parallel_loop3A_202 = arith.index_cast %parallel_loop3A_128 : i32 to index
      %parallel_loop3A_203 = tpu.vector_load %arg5[%parallel_loop3A_200, %parallel_loop3A_201, %parallel_loop3A_202] {strides = array<i32>} : memref<8x8x256xf32, #tpu.memory_space<vmem>>, vector<16xf32>,
      tpu.vector_store %arg5[%parallel_loop3A_200, %parallel_loop3A_201, %parallel_loop3A_202], %parallel_loop3A_198 {strides = array<i32>} : memref<8x8x256xf32, #tpu.memory_space<vmem>>, vector<16xf32>,
      %parallel_loop3A_204 = arith.constant 1922 : i32
      %parallel_loop3A_205 = vector.broadcast %parallel_loop3A_204 : i32 to vector<16xi32>
      %parallel_loop3A_206 = arith.addi %parallel_loop3A_185, %parallel_loop3A_205 : vector<16xi32>
      %parallel_loop3A_207 = tpu.vector_load_idx %arg4[%parallel_loop3A_206] : memref<7688xf32, #tpu.memory_space<vmem>>[vector<16xi32>], vector<16xf32>,
      %parallel_loop3A_208 = arith.constant 2 : i32
      %parallel_loop3A_209 = arith.index_cast %parallel_loop3A_208 : i32 to index
      %parallel_loop3A_210 = arith.index_cast %parallel_loop3A_110 : i32 to index
      %parallel_loop3A_211 = arith.index_cast %parallel_loop3A_128 : i32 to index
      %parallel_loop3A_212 = tpu.vector_load %arg5[%parallel_loop3A_209, %parallel_loop3A_210, %parallel_loop3A_211] {strides = array<i32>} : memref<8x8x256xf32, #tpu.memory_space<vmem>>, vector<16xf32>,
      tpu.vector_store %arg5[%parallel_loop3A_209, %parallel_loop3A_210, %parallel_loop3A_211], %parallel_loop3A_207 {strides = array<i32>} : memref<8x8x256xf32, #tpu.memory_space<vmem>>, vector<16xf32>,
      %parallel_loop3A_213 = arith.constant 2883 : i32
      %parallel_loop3A_214 = vector.broadcast %parallel_loop3A_213 : i32 to vector<16xi32>
      %parallel_loop3A_215 = arith.addi %parallel_loop3A_185, %parallel_loop3A_214 : vector<16xi32>
      %parallel_loop3A_216 = tpu.vector_load_idx %arg4[%parallel_loop3A_215] : memref<7688xf32, #tpu.memory_space<vmem>>[vector<16xi32>], vector<16xf32>,
      %parallel_loop3A_217 = arith.constant 3 : i32
      %parallel_loop3A_218 = arith.index_cast %parallel_loop3A_217 : i32 to index
      %parallel_loop3A_219 = arith.index_cast %parallel_loop3A_110 : i32 to index
      %parallel_loop3A_220 = arith.index_cast %parallel_loop3A_128 : i32 to index
      %parallel_loop3A_221 = tpu.vector_load %arg5[%parallel_loop3A_218, %parallel_loop3A_219, %parallel_loop3A_220] {strides = array<i32>} : memref<8x8x256xf32, #tpu.memory_space<vmem>>, vector<16xf32>,
      tpu.vector_store %arg5[%parallel_loop3A_218, %parallel_loop3A_219, %parallel_loop3A_220], %parallel_loop3A_216 {strides = array<i32>} : memref<8x8x256xf32, #tpu.memory_space<vmem>>, vector<16xf32>,
      %parallel_loop3A_222 = arith.constant 3844 : i32
      %parallel_loop3A_223 = vector.broadcast %parallel_loop3A_222 : i32 to vector<16xi32>
      %parallel_loop3A_224 = arith.addi %parallel_loop3A_185, %parallel_loop3A_223 : vector<16xi32>
      %parallel_loop3A_225 = tpu.vector_load_idx %arg4[%parallel_loop3A_224] : memref<7688xf32, #tpu.memory_space<vmem>>[vector<16xi32>], vector<16xf32>,
      %parallel_loop3A_226 = arith.constant 4 : i32
      %parallel_loop3A_227 = arith.index_cast %parallel_loop3A_226 : i32 to index
      %parallel_loop3A_228 = arith.index_cast %parallel_loop3A_110 : i32 to index
      %parallel_loop3A_229 = arith.index_cast %parallel_loop3A_128 : i32 to index
      %parallel_loop3A_230 = tpu.vector_load %arg5[%parallel_loop3A_227, %parallel_loop3A_228, %parallel_loop3A_229] {strides = array<i32>} : memref<8x8x256xf32, #tpu.memory_space<vmem>>, vector<16xf32>,
      tpu.vector_store %arg5[%parallel_loop3A_227, %parallel_loop3A_228, %parallel_loop3A_229], %parallel_loop3A_225 {strides = array<i32>} : memref<8x8x256xf32, #tpu.memory_space<vmem>>, vector<16xf32>,
      %parallel_loop3A_231 = arith.constant 4805 : i32
      %parallel_loop3A_232 = vector.broadcast %parallel_loop3A_231 : i32 to vector<16xi32>
      %parallel_loop3A_233 = arith.addi %parallel_loop3A_185, %parallel_loop3A_232 : vector<16xi32>
      %parallel_loop3A_234 = tpu.vector_load_idx %arg4[%parallel_loop3A_233] : memref<7688xf32, #tpu.memory_space<vmem>>[vector<16xi32>], vector<16xf32>,
      %parallel_loop3A_235 = arith.constant 5 : i32
      %parallel_loop3A_236 = arith.index_cast %parallel_loop3A_235 : i32 to index
      %parallel_loop3A_237 = arith.index_cast %parallel_loop3A_110 : i32 to index
      %parallel_loop3A_238 = arith.index_cast %parallel_loop3A_128 : i32 to index
      %parallel_loop3A_239 = tpu.vector_load %arg5[%parallel_loop3A_236, %parallel_loop3A_237, %parallel_loop3A_238] {strides = array<i32>} : memref<8x8x256xf32, #tpu.memory_space<vmem>>, vector<16xf32>,
      tpu.vector_store %arg5[%parallel_loop3A_236, %parallel_loop3A_237, %parallel_loop3A_238], %parallel_loop3A_234 {strides = array<i32>} : memref<8x8x256xf32, #tpu.memory_space<vmem>>, vector<16xf32>,
      %parallel_loop3A_240 = arith.constant 5766 : i32
      %parallel_loop3A_241 = vector.broadcast %parallel_loop3A_240 : i32 to vector<16xi32>
      %parallel_loop3A_242 = arith.addi %parallel_loop3A_185, %parallel_loop3A_241 : vector<16xi32>
      %parallel_loop3A_243 = tpu.vector_load_idx %arg4[%parallel_loop3A_242] : memref<7688xf32, #tpu.memory_space<vmem>>[vector<16xi32>], vector<16xf32>,
      %parallel_loop3A_244 = arith.constant 6 : i32
      %parallel_loop3A_245 = arith.index_cast %parallel_loop3A_244 : i32 to index
      %parallel_loop3A_246 = arith.index_cast %parallel_loop3A_110 : i32 to index
      %parallel_loop3A_247 = arith.index_cast %parallel_loop3A_128 : i32 to index
      %parallel_loop3A_248 = tpu.vector_load %arg5[%parallel_loop3A_245, %parallel_loop3A_246, %parallel_loop3A_247] {strides = array<i32>} : memref<8x8x256xf32, #tpu.memory_space<vmem>>, vector<16xf32>,
      tpu.vector_store %arg5[%parallel_loop3A_245, %parallel_loop3A_246, %parallel_loop3A_247], %parallel_loop3A_243 {strides = array<i32>} : memref<8x8x256xf32, #tpu.memory_space<vmem>>, vector<16xf32>,
      %parallel_loop3A_249 = arith.constant 6727 : i32
      %parallel_loop3A_250 = vector.broadcast %parallel_loop3A_249 : i32 to vector<16xi32>
      %parallel_loop3A_251 = arith.addi %parallel_loop3A_185, %parallel_loop3A_250 : vector<16xi32>
      %parallel_loop3A_252 = tpu.vector_load_idx %arg4[%parallel_loop3A_251] : memref<7688xf32, #tpu.memory_space<vmem>>[vector<16xi32>], vector<16xf32>,
      %parallel_loop3A_253 = arith.constant 7 : i32
      %parallel_loop3A_254 = arith.index_cast %parallel_loop3A_253 : i32 to index
      %parallel_loop3A_255 = arith.index_cast %parallel_loop3A_110 : i32 to index
      %parallel_loop3A_256 = arith.index_cast %parallel_loop3A_128 : i32 to index
      %parallel_loop3A_257 = tpu.vector_load %arg5[%parallel_loop3A_254, %parallel_loop3A_255, %parallel_loop3A_256] {strides = array<i32>} : memref<8x8x256xf32, #tpu.memory_space<vmem>>, vector<16xf32>,
      tpu.vector_store %arg5[%parallel_loop3A_254, %parallel_loop3A_255, %parallel_loop3A_256], %parallel_loop3A_252 {strides = array<i32>} : memref<8x8x256xf32, #tpu.memory_space<vmem>>, vector<16xf32>,
    } {sc.loop_unroll_factor = 2 : i64, sc.parallel_access}
    %add3A_39 = arith.constant 0 : i32
    %add3A_40 = arith.addi %mul3A_34, %add3A_39 : i32
    %dma_start3A = arith.constant 0 : i32
    %dma_start3A_41 = tpu.memref_slice %arg3[%mul3A_11, %add3A_40, %dma_start3A] : memref<32x256x256xf32, #tpu.memory_space<hbm>> -> memref<8x8x256xf32, #tpu.memory_space<hbm>>
    %dma_start3A_42 = arith.constant 0 : i32
    %dma_start3A_43 = tpu.memref_slice %arg3[%mul3A_11, %add3A_40, %dma_start3A_42] : memref<32x256x256xf32, #tpu.memory_space<hbm>> -> memref<8x8x256xf32, #tpu.memory_space<hbm>>
    tpu.enqueue_dma source(%arg5 : memref<8x8x256xf32, #tpu.memory_space<vmem>>) target(%dma_start3A_43 : memref<8x8x256xf32, #tpu.memory_space<hbm>>) target_semaphore(%arg7 : memref<!tpu.dma_semaphore, #tpu.memory_space<semaphore_mem>>)
    %parallel_loop3A_44 = arith.constant 0 : i32
    %parallel_loop3A_45 = arith.constant 128 : i32
    %parallel_loop3A_46 = arith.constant 1 : i32
    scf.for %parallel_loop3A_86 = %parallel_loop3A_44 to %parallel_loop3A_45 step %parallel_loop3A_46  : i32 {
      %parallel_loop3A_87 = arith.constant 16 : i32
      %parallel_loop3A_88 = arith.divsi %parallel_loop3A_86, %parallel_loop3A_87 : i32
      %parallel_loop3A_89 = arith.constant 0 : i32
      %parallel_loop3A_90 = arith.cmpi sgt, %parallel_loop3A_86, %parallel_loop3A_89 : i32
      %parallel_loop3A_91 = arith.extui %parallel_loop3A_90 : i1 to i32
      %parallel_loop3A_92 = arith.constant 0 : i32
      %parallel_loop3A_93 = arith.cmpi slt, %parallel_loop3A_86, %parallel_loop3A_92 : i32
      %parallel_loop3A_94 = arith.extui %parallel_loop3A_93 : i1 to i32
      %parallel_loop3A_95 = arith.subi %parallel_loop3A_91, %parallel_loop3A_94 : i32
      %parallel_loop3A_96 = arith.constant 0 : i32
      %parallel_loop3A_97 = arith.cmpi sgt, %parallel_loop3A_87, %parallel_loop3A_96 : i32
      %parallel_loop3A_98 = arith.extui %parallel_loop3A_97 : i1 to i32
      %parallel_loop3A_99 = arith.constant 0 : i32
      %parallel_loop3A_100 = arith.cmpi slt, %parallel_loop3A_87, %parallel_loop3A_99 : i32
      %parallel_loop3A_101 = arith.extui %parallel_loop3A_100 : i1 to i32
      %parallel_loop3A_102 = arith.subi %parallel_loop3A_98, %parallel_loop3A_101 : i32
      %parallel_loop3A_103 = arith.cmpi ne, %parallel_loop3A_95, %parallel_loop3A_102 : i32
      %parallel_loop3A_104 = arith.remsi %parallel_loop3A_86, %parallel_loop3A_87 : i32
      %parallel_loop3A_105 = arith.constant 0 : i32
      %parallel_loop3A_106 = arith.cmpi ne, %parallel_loop3A_104, %parallel_loop3A_105 : i32
      %parallel_loop3A_107 = arith.andi %parallel_loop3A_103, %parallel_loop3A_106 : i1
      %parallel_loop3A_108 = arith.constant 1 : i32
      %parallel_loop3A_109 = arith.subi %parallel_loop3A_88, %parallel_loop3A_108 : i32
      %parallel_loop3A_110 = arith.select %parallel_loop3A_107, %parallel_loop3A_109, %parallel_loop3A_88 : i32
      %parallel_loop3A_111 = arith.constant 16 : i32
      %parallel_loop3A_112 = arith.constant 0 : i32
      %parallel_loop3A_113 = arith.cmpi eq, %parallel_loop3A_111, %parallel_loop3A_112 : i32
      %parallel_loop3A_114 = arith.constant 1 : i32
      %parallel_loop3A_115 = arith.select %parallel_loop3A_113, %parallel_loop3A_114, %parallel_loop3A_111 : i32
      %parallel_loop3A_116 = arith.remsi %parallel_loop3A_86, %parallel_loop3A_115 : i32
      %parallel_loop3A_117 = arith.constant 0 : i32
      %parallel_loop3A_118 = arith.cmpi ne, %parallel_loop3A_116, %parallel_loop3A_117 : i32
      %parallel_loop3A_119 = arith.constant 0 : i32
      %parallel_loop3A_120 = arith.cmpi slt, %parallel_loop3A_116, %parallel_loop3A_119 : i32
      %parallel_loop3A_121 = arith.constant 0 : i32
      %parallel_loop3A_122 = arith.cmpi slt, %parallel_loop3A_115, %parallel_loop3A_121 : i32
      %parallel_loop3A_123 = arith.xori %parallel_loop3A_120, %parallel_loop3A_122 : i1
      %parallel_loop3A_124 = arith.andi %parallel_loop3A_123, %parallel_loop3A_118 : i1
      %parallel_loop3A_125 = arith.addi %parallel_loop3A_116, %parallel_loop3A_115 : i32
      %parallel_loop3A_126 = arith.select %parallel_loop3A_124, %parallel_loop3A_125, %parallel_loop3A_116 : i32
      %parallel_loop3A_127 = arith.constant 16 : i32
      %parallel_loop3A_128 = arith.muli %parallel_loop3A_126, %parallel_loop3A_127 : i32
      %parallel_loop3A_129 = arith.constant 8 : i32
      %parallel_loop3A_130 = arith.addi %mul3A_34, %parallel_loop3A_129 : i32
      %parallel_loop3A_131 = arith.addi %parallel_loop3A_130, %parallel_loop3A_110 : i32
      %parallel_loop3A_132 = arith.constant 16 : i32
      %parallel_loop3A_133 = arith.divsi %parallel_loop3A_131, %parallel_loop3A_132 : i32
      %parallel_loop3A_134 = arith.constant 0 : i32
      %parallel_loop3A_135 = arith.cmpi sgt, %parallel_loop3A_131, %parallel_loop3A_134 : i32
      %parallel_loop3A_136 = arith.extui %parallel_loop3A_135 : i1 to i32
      %parallel_loop3A_137 = arith.constant 0 : i32
      %parallel_loop3A_138 = arith.cmpi slt, %parallel_loop3A_131, %parallel_loop3A_137 : i32
      %parallel_loop3A_139 = arith.extui %parallel_loop3A_138 : i1 to i32
      %parallel_loop3A_140 = arith.subi %parallel_loop3A_136, %parallel_loop3A_139 : i32
      %parallel_loop3A_141 = arith.constant 0 : i32
      %parallel_loop3A_142 = arith.cmpi sgt, %parallel_loop3A_132, %parallel_loop3A_141 : i32
      %parallel_loop3A_143 = arith.extui %parallel_loop3A_142 : i1 to i32
      %parallel_loop3A_144 = arith.constant 0 : i32
      %parallel_loop3A_145 = arith.cmpi slt, %parallel_loop3A_132, %parallel_loop3A_144 : i32
      %parallel_loop3A_146 = arith.extui %parallel_loop3A_145 : i1 to i32
      %parallel_loop3A_147 = arith.subi %parallel_loop3A_143, %parallel_loop3A_146 : i32
      %parallel_loop3A_148 = arith.cmpi ne, %parallel_loop3A_140, %parallel_loop3A_147 : i32
      %parallel_loop3A_149 = arith.remsi %parallel_loop3A_131, %parallel_loop3A_132 : i32
      %parallel_loop3A_150 = arith.constant 0 : i32
      %parallel_loop3A_151 = arith.cmpi ne, %parallel_loop3A_149, %parallel_loop3A_150 : i32
      %parallel_loop3A_152 = arith.andi %parallel_loop3A_148, %parallel_loop3A_151 : i1
      %parallel_loop3A_153 = arith.constant 1 : i32
      %parallel_loop3A_154 = arith.subi %parallel_loop3A_133, %parallel_loop3A_153 : i32
      %parallel_loop3A_155 = arith.select %parallel_loop3A_152, %parallel_loop3A_154, %parallel_loop3A_133 : i32
      %parallel_loop3A_156 = arith.constant 16 : i32
      %parallel_loop3A_157 = arith.constant 0 : i32
      %parallel_loop3A_158 = arith.cmpi eq, %parallel_loop3A_156, %parallel_loop3A_157 : i32
      %parallel_loop3A_159 = arith.constant 1 : i32
      %parallel_loop3A_160 = arith.select %parallel_loop3A_158, %parallel_loop3A_159, %parallel_loop3A_156 : i32
      %parallel_loop3A_161 = arith.remsi %parallel_loop3A_131, %parallel_loop3A_160 : i32
      %parallel_loop3A_162 = arith.constant 0 : i32
      %parallel_loop3A_163 = arith.cmpi ne, %parallel_loop3A_161, %parallel_loop3A_162 : i32
      %parallel_loop3A_164 = arith.constant 0 : i32
      %parallel_loop3A_165 = arith.cmpi slt, %parallel_loop3A_161, %parallel_loop3A_164 : i32
      %parallel_loop3A_166 = arith.constant 0 : i32
      %parallel_loop3A_167 = arith.cmpi slt, %parallel_loop3A_160, %parallel_loop3A_166 : i32
      %parallel_loop3A_168 = arith.xori %parallel_loop3A_165, %parallel_loop3A_167 : i1
      %parallel_loop3A_169 = arith.andi %parallel_loop3A_168, %parallel_loop3A_163 : i1
      %parallel_loop3A_170 = arith.addi %parallel_loop3A_161, %parallel_loop3A_160 : i32
      %parallel_loop3A_171 = arith.select %parallel_loop3A_169, %parallel_loop3A_170, %parallel_loop3A_161 : i32
      %parallel_loop3A_172 = arith.subi %parallel_loop3A_155, %parallel_loop3A_126 : i32
      %parallel_loop3A_173 = arith.constant 16 : i32
      %parallel_loop3A_174 = arith.addi %parallel_loop3A_172, %parallel_loop3A_173 : i32
      %parallel_loop3A_175 = arith.constant 1 : i32
      %parallel_loop3A_176 = arith.subi %parallel_loop3A_174, %parallel_loop3A_175 : i32
      %parallel_loop3A_177 = arith.constant 31 : i32
      %parallel_loop3A_178 = arith.muli %parallel_loop3A_177, %parallel_loop3A_176 : i32
      %parallel_loop3A_179 = arith.addi %parallel_loop3A_178, %parallel_loop3A_171 : i32
      %parallel_loop3A_180 = arith.constant 16 : i32
      %parallel_loop3A_181 = arith.addi %parallel_loop3A_179, %parallel_loop3A_180 : i32
      %parallel_loop3A_182 = arith.constant 1 : i32
      %parallel_loop3A_183 = arith.subi %parallel_loop3A_181, %parallel_loop3A_182 : i32
      %parallel_loop3A_184 = vector.broadcast %parallel_loop3A_183 : i32 to vector<16xi32>
      %parallel_loop3A_185 = arith.subi %parallel_loop3A_184, %iota3A : vector<16xi32>
      %parallel_loop3A_186 = arith.constant 0 : i32
      %parallel_loop3A_187 = vector.broadcast %parallel_loop3A_186 : i32 to vector<16xi32>
      %parallel_loop3A_188 = arith.addi %parallel_loop3A_185, %parallel_loop3A_187 : vector<16xi32>
      %parallel_loop3A_189 = tpu.vector_load_idx %arg4[%parallel_loop3A_188] : memref<7688xf32, #tpu.memory_space<vmem>>[vector<16xi32>], vector<16xf32>,
      %parallel_loop3A_190 = arith.constant 0 : i32
      %parallel_loop3A_191 = arith.index_cast %parallel_loop3A_190 : i32 to index
      %parallel_loop3A_192 = arith.index_cast %parallel_loop3A_110 : i32 to index
      %parallel_loop3A_193 = arith.index_cast %parallel_loop3A_128 : i32 to index
      %parallel_loop3A_194 = tpu.vector_load %arg6[%parallel_loop3A_191, %parallel_loop3A_192, %parallel_loop3A_193] {strides = array<i32>} : memref<8x8x256xf32, #tpu.memory_space<vmem>>, vector<16xf32>,
      tpu.vector_store %arg6[%parallel_loop3A_191, %parallel_loop3A_192, %parallel_loop3A_193], %parallel_loop3A_189 {strides = array<i32>} : memref<8x8x256xf32, #tpu.memory_space<vmem>>, vector<16xf32>,
      %parallel_loop3A_195 = arith.constant 961 : i32
      %parallel_loop3A_196 = vector.broadcast %parallel_loop3A_195 : i32 to vector<16xi32>
      %parallel_loop3A_197 = arith.addi %parallel_loop3A_185, %parallel_loop3A_196 : vector<16xi32>
      %parallel_loop3A_198 = tpu.vector_load_idx %arg4[%parallel_loop3A_197] : memref<7688xf32, #tpu.memory_space<vmem>>[vector<16xi32>], vector<16xf32>,
      %parallel_loop3A_199 = arith.constant 1 : i32
      %parallel_loop3A_200 = arith.index_cast %parallel_loop3A_199 : i32 to index
      %parallel_loop3A_201 = arith.index_cast %parallel_loop3A_110 : i32 to index
      %parallel_loop3A_202 = arith.index_cast %parallel_loop3A_128 : i32 to index
      %parallel_loop3A_203 = tpu.vector_load %arg6[%parallel_loop3A_200, %parallel_loop3A_201, %parallel_loop3A_202] {strides = array<i32>} : memref<8x8x256xf32, #tpu.memory_space<vmem>>, vector<16xf32>,
      tpu.vector_store %arg6[%parallel_loop3A_200, %parallel_loop3A_201, %parallel_loop3A_202], %parallel_loop3A_198 {strides = array<i32>} : memref<8x8x256xf32, #tpu.memory_space<vmem>>, vector<16xf32>,
      %parallel_loop3A_204 = arith.constant 1922 : i32
      %parallel_loop3A_205 = vector.broadcast %parallel_loop3A_204 : i32 to vector<16xi32>
      %parallel_loop3A_206 = arith.addi %parallel_loop3A_185, %parallel_loop3A_205 : vector<16xi32>
      %parallel_loop3A_207 = tpu.vector_load_idx %arg4[%parallel_loop3A_206] : memref<7688xf32, #tpu.memory_space<vmem>>[vector<16xi32>], vector<16xf32>,
      %parallel_loop3A_208 = arith.constant 2 : i32
      %parallel_loop3A_209 = arith.index_cast %parallel_loop3A_208 : i32 to index
      %parallel_loop3A_210 = arith.index_cast %parallel_loop3A_110 : i32 to index
      %parallel_loop3A_211 = arith.index_cast %parallel_loop3A_128 : i32 to index
      %parallel_loop3A_212 = tpu.vector_load %arg6[%parallel_loop3A_209, %parallel_loop3A_210, %parallel_loop3A_211] {strides = array<i32>} : memref<8x8x256xf32, #tpu.memory_space<vmem>>, vector<16xf32>,
      tpu.vector_store %arg6[%parallel_loop3A_209, %parallel_loop3A_210, %parallel_loop3A_211], %parallel_loop3A_207 {strides = array<i32>} : memref<8x8x256xf32, #tpu.memory_space<vmem>>, vector<16xf32>,
      %parallel_loop3A_213 = arith.constant 2883 : i32
      %parallel_loop3A_214 = vector.broadcast %parallel_loop3A_213 : i32 to vector<16xi32>
      %parallel_loop3A_215 = arith.addi %parallel_loop3A_185, %parallel_loop3A_214 : vector<16xi32>
      %parallel_loop3A_216 = tpu.vector_load_idx %arg4[%parallel_loop3A_215] : memref<7688xf32, #tpu.memory_space<vmem>>[vector<16xi32>], vector<16xf32>,
      %parallel_loop3A_217 = arith.constant 3 : i32
      %parallel_loop3A_218 = arith.index_cast %parallel_loop3A_217 : i32 to index
      %parallel_loop3A_219 = arith.index_cast %parallel_loop3A_110 : i32 to index
      %parallel_loop3A_220 = arith.index_cast %parallel_loop3A_128 : i32 to index
      %parallel_loop3A_221 = tpu.vector_load %arg6[%parallel_loop3A_218, %parallel_loop3A_219, %parallel_loop3A_220] {strides = array<i32>} : memref<8x8x256xf32, #tpu.memory_space<vmem>>, vector<16xf32>,
      tpu.vector_store %arg6[%parallel_loop3A_218, %parallel_loop3A_219, %parallel_loop3A_220], %parallel_loop3A_216 {strides = array<i32>} : memref<8x8x256xf32, #tpu.memory_space<vmem>>, vector<16xf32>,
      %parallel_loop3A_222 = arith.constant 3844 : i32
      %parallel_loop3A_223 = vector.broadcast %parallel_loop3A_222 : i32 to vector<16xi32>
      %parallel_loop3A_224 = arith.addi %parallel_loop3A_185, %parallel_loop3A_223 : vector<16xi32>
      %parallel_loop3A_225 = tpu.vector_load_idx %arg4[%parallel_loop3A_224] : memref<7688xf32, #tpu.memory_space<vmem>>[vector<16xi32>], vector<16xf32>,
      %parallel_loop3A_226 = arith.constant 4 : i32
      %parallel_loop3A_227 = arith.index_cast %parallel_loop3A_226 : i32 to index
      %parallel_loop3A_228 = arith.index_cast %parallel_loop3A_110 : i32 to index
      %parallel_loop3A_229 = arith.index_cast %parallel_loop3A_128 : i32 to index
      %parallel_loop3A_230 = tpu.vector_load %arg6[%parallel_loop3A_227, %parallel_loop3A_228, %parallel_loop3A_229] {strides = array<i32>} : memref<8x8x256xf32, #tpu.memory_space<vmem>>, vector<16xf32>,
      tpu.vector_store %arg6[%parallel_loop3A_227, %parallel_loop3A_228, %parallel_loop3A_229], %parallel_loop3A_225 {strides = array<i32>} : memref<8x8x256xf32, #tpu.memory_space<vmem>>, vector<16xf32>,
      %parallel_loop3A_231 = arith.constant 4805 : i32
      %parallel_loop3A_232 = vector.broadcast %parallel_loop3A_231 : i32 to vector<16xi32>
      %parallel_loop3A_233 = arith.addi %parallel_loop3A_185, %parallel_loop3A_232 : vector<16xi32>
      %parallel_loop3A_234 = tpu.vector_load_idx %arg4[%parallel_loop3A_233] : memref<7688xf32, #tpu.memory_space<vmem>>[vector<16xi32>], vector<16xf32>,
      %parallel_loop3A_235 = arith.constant 5 : i32
      %parallel_loop3A_236 = arith.index_cast %parallel_loop3A_235 : i32 to index
      %parallel_loop3A_237 = arith.index_cast %parallel_loop3A_110 : i32 to index
      %parallel_loop3A_238 = arith.index_cast %parallel_loop3A_128 : i32 to index
      %parallel_loop3A_239 = tpu.vector_load %arg6[%parallel_loop3A_236, %parallel_loop3A_237, %parallel_loop3A_238] {strides = array<i32>} : memref<8x8x256xf32, #tpu.memory_space<vmem>>, vector<16xf32>,
      tpu.vector_store %arg6[%parallel_loop3A_236, %parallel_loop3A_237, %parallel_loop3A_238], %parallel_loop3A_234 {strides = array<i32>} : memref<8x8x256xf32, #tpu.memory_space<vmem>>, vector<16xf32>,
      %parallel_loop3A_240 = arith.constant 5766 : i32
      %parallel_loop3A_241 = vector.broadcast %parallel_loop3A_240 : i32 to vector<16xi32>
      %parallel_loop3A_242 = arith.addi %parallel_loop3A_185, %parallel_loop3A_241 : vector<16xi32>
      %parallel_loop3A_243 = tpu.vector_load_idx %arg4[%parallel_loop3A_242] : memref<7688xf32, #tpu.memory_space<vmem>>[vector<16xi32>], vector<16xf32>,
      %parallel_loop3A_244 = arith.constant 6 : i32
      %parallel_loop3A_245 = arith.index_cast %parallel_loop3A_244 : i32 to index
      %parallel_loop3A_246 = arith.index_cast %parallel_loop3A_110 : i32 to index
      %parallel_loop3A_247 = arith.index_cast %parallel_loop3A_128 : i32 to index
      %parallel_loop3A_248 = tpu.vector_load %arg6[%parallel_loop3A_245, %parallel_loop3A_246, %parallel_loop3A_247] {strides = array<i32>} : memref<8x8x256xf32, #tpu.memory_space<vmem>>, vector<16xf32>,
      tpu.vector_store %arg6[%parallel_loop3A_245, %parallel_loop3A_246, %parallel_loop3A_247], %parallel_loop3A_243 {strides = array<i32>} : memref<8x8x256xf32, #tpu.memory_space<vmem>>, vector<16xf32>,
      %parallel_loop3A_249 = arith.constant 6727 : i32
      %parallel_loop3A_250 = vector.broadcast %parallel_loop3A_249 : i32 to vector<16xi32>
      %parallel_loop3A_251 = arith.addi %parallel_loop3A_185, %parallel_loop3A_250 : vector<16xi32>
      %parallel_loop3A_252 = tpu.vector_load_idx %arg4[%parallel_loop3A_251] : memref<7688xf32, #tpu.memory_space<vmem>>[vector<16xi32>], vector<16xf32>,
      %parallel_loop3A_253 = arith.constant 7 : i32
      %parallel_loop3A_254 = arith.index_cast %parallel_loop3A_253 : i32 to index
      %parallel_loop3A_255 = arith.index_cast %parallel_loop3A_110 : i32 to index
      %parallel_loop3A_256 = arith.index_cast %parallel_loop3A_128 : i32 to index
      %parallel_loop3A_257 = tpu.vector_load %arg6[%parallel_loop3A_254, %parallel_loop3A_255, %parallel_loop3A_256] {strides = array<i32>} : memref<8x8x256xf32, #tpu.memory_space<vmem>>, vector<16xf32>,
      tpu.vector_store %arg6[%parallel_loop3A_254, %parallel_loop3A_255, %parallel_loop3A_256], %parallel_loop3A_252 {strides = array<i32>} : memref<8x8x256xf32, #tpu.memory_space<vmem>>, vector<16xf32>,
    } {sc.loop_unroll_factor = 2 : i64, sc.parallel_access}
    %add3A_47 = arith.constant 8 : i32
    %add3A_48 = arith.addi %mul3A_34, %add3A_47 : i32
    %dma_start3A_49 = arith.constant 0 : i32
    %dma_start3A_50 = tpu.memref_slice %arg3[%mul3A_11, %add3A_48, %dma_start3A_49] : memref<32x256x256xf32, #tpu.memory_space<hbm>> -> memref<8x8x256xf32, #tpu.memory_space<hbm>>
    %dma_start3A_51 = arith.constant 0 : i32
    %dma_start3A_52 = tpu.memref_slice %arg3[%mul3A_11, %add3A_48, %dma_start3A_51] : memref<32x256x256xf32, #tpu.memory_space<hbm>> -> memref<8x8x256xf32, #tpu.memory_space<hbm>>
    tpu.enqueue_dma source(%arg6 : memref<8x8x256xf32, #tpu.memory_space<vmem>>) target(%dma_start3A_52 : memref<8x8x256xf32, #tpu.memory_space<hbm>>) target_semaphore(%arg8 : memref<!tpu.dma_semaphore, #tpu.memory_space<semaphore_mem>>)
    %dma_wait3A = arith.constant 0 : i32
    %dma_wait3A_53 = tpu.memref_slice %arg3[%mul3A_11, %add3A_40, %dma_wait3A] : memref<32x256x256xf32, #tpu.memory_space<hbm>> -> memref<8x8x256xf32, #tpu.memory_space<hbm>>
    %dma_wait3A_54 = arith.constant 0 : i32
    %dma_wait3A_55 = tpu.memref_slice %arg3[%mul3A_11, %add3A_40, %dma_wait3A_54] : memref<32x256x256xf32, #tpu.memory_space<hbm>> -> memref<8x8x256xf32, #tpu.memory_space<hbm>>
    tpu.wait_dma2 semaphore(%arg7 : memref<!tpu.dma_semaphore, #tpu.memory_space<semaphore_mem>>) src(%arg5 : memref<8x8x256xf32, #tpu.memory_space<vmem>>) dst(%dma_wait3A_55 : memref<8x8x256xf32, #tpu.memory_space<hbm>>)
    %parallel_loop3A_56 = arith.constant 0 : i32
    %parallel_loop3A_57 = arith.constant 128 : i32
    %parallel_loop3A_58 = arith.constant 1 : i32
    scf.for %parallel_loop3A_86 = %parallel_loop3A_56 to %parallel_loop3A_57 step %parallel_loop3A_58  : i32 {
      %parallel_loop3A_87 = arith.constant 16 : i32
      %parallel_loop3A_88 = arith.divsi %parallel_loop3A_86, %parallel_loop3A_87 : i32
      %parallel_loop3A_89 = arith.constant 0 : i32
      %parallel_loop3A_90 = arith.cmpi sgt, %parallel_loop3A_86, %parallel_loop3A_89 : i32
      %parallel_loop3A_91 = arith.extui %parallel_loop3A_90 : i1 to i32
      %parallel_loop3A_92 = arith.constant 0 : i32
      %parallel_loop3A_93 = arith.cmpi slt, %parallel_loop3A_86, %parallel_loop3A_92 : i32
      %parallel_loop3A_94 = arith.extui %parallel_loop3A_93 : i1 to i32
      %parallel_loop3A_95 = arith.subi %parallel_loop3A_91, %parallel_loop3A_94 : i32
      %parallel_loop3A_96 = arith.constant 0 : i32
      %parallel_loop3A_97 = arith.cmpi sgt, %parallel_loop3A_87, %parallel_loop3A_96 : i32
      %parallel_loop3A_98 = arith.extui %parallel_loop3A_97 : i1 to i32
      %parallel_loop3A_99 = arith.constant 0 : i32
      %parallel_loop3A_100 = arith.cmpi slt, %parallel_loop3A_87, %parallel_loop3A_99 : i32
      %parallel_loop3A_101 = arith.extui %parallel_loop3A_100 : i1 to i32
      %parallel_loop3A_102 = arith.subi %parallel_loop3A_98, %parallel_loop3A_101 : i32
      %parallel_loop3A_103 = arith.cmpi ne, %parallel_loop3A_95, %parallel_loop3A_102 : i32
      %parallel_loop3A_104 = arith.remsi %parallel_loop3A_86, %parallel_loop3A_87 : i32
      %parallel_loop3A_105 = arith.constant 0 : i32
      %parallel_loop3A_106 = arith.cmpi ne, %parallel_loop3A_104, %parallel_loop3A_105 : i32
      %parallel_loop3A_107 = arith.andi %parallel_loop3A_103, %parallel_loop3A_106 : i1
      %parallel_loop3A_108 = arith.constant 1 : i32
      %parallel_loop3A_109 = arith.subi %parallel_loop3A_88, %parallel_loop3A_108 : i32
      %parallel_loop3A_110 = arith.select %parallel_loop3A_107, %parallel_loop3A_109, %parallel_loop3A_88 : i32
      %parallel_loop3A_111 = arith.constant 16 : i32
      %parallel_loop3A_112 = arith.constant 0 : i32
      %parallel_loop3A_113 = arith.cmpi eq, %parallel_loop3A_111, %parallel_loop3A_112 : i32
      %parallel_loop3A_114 = arith.constant 1 : i32
      %parallel_loop3A_115 = arith.select %parallel_loop3A_113, %parallel_loop3A_114, %parallel_loop3A_111 : i32
      %parallel_loop3A_116 = arith.remsi %parallel_loop3A_86, %parallel_loop3A_115 : i32
      %parallel_loop3A_117 = arith.constant 0 : i32
      %parallel_loop3A_118 = arith.cmpi ne, %parallel_loop3A_116, %parallel_loop3A_117 : i32
      %parallel_loop3A_119 = arith.constant 0 : i32
      %parallel_loop3A_120 = arith.cmpi slt, %parallel_loop3A_116, %parallel_loop3A_119 : i32
      %parallel_loop3A_121 = arith.constant 0 : i32
      %parallel_loop3A_122 = arith.cmpi slt, %parallel_loop3A_115, %parallel_loop3A_121 : i32
      %parallel_loop3A_123 = arith.xori %parallel_loop3A_120, %parallel_loop3A_122 : i1
      %parallel_loop3A_124 = arith.andi %parallel_loop3A_123, %parallel_loop3A_118 : i1
      %parallel_loop3A_125 = arith.addi %parallel_loop3A_116, %parallel_loop3A_115 : i32
      %parallel_loop3A_126 = arith.select %parallel_loop3A_124, %parallel_loop3A_125, %parallel_loop3A_116 : i32
      %parallel_loop3A_127 = arith.constant 16 : i32
      %parallel_loop3A_128 = arith.muli %parallel_loop3A_126, %parallel_loop3A_127 : i32
      %parallel_loop3A_129 = arith.constant 16 : i32
      %parallel_loop3A_130 = arith.addi %mul3A_34, %parallel_loop3A_129 : i32
      %parallel_loop3A_131 = arith.addi %parallel_loop3A_130, %parallel_loop3A_110 : i32
      %parallel_loop3A_132 = arith.constant 16 : i32
      %parallel_loop3A_133 = arith.divsi %parallel_loop3A_131, %parallel_loop3A_132 : i32
      %parallel_loop3A_134 = arith.constant 0 : i32
      %parallel_loop3A_135 = arith.cmpi sgt, %parallel_loop3A_131, %parallel_loop3A_134 : i32
      %parallel_loop3A_136 = arith.extui %parallel_loop3A_135 : i1 to i32
      %parallel_loop3A_137 = arith.constant 0 : i32
      %parallel_loop3A_138 = arith.cmpi slt, %parallel_loop3A_131, %parallel_loop3A_137 : i32
      %parallel_loop3A_139 = arith.extui %parallel_loop3A_138 : i1 to i32
      %parallel_loop3A_140 = arith.subi %parallel_loop3A_136, %parallel_loop3A_139 : i32
      %parallel_loop3A_141 = arith.constant 0 : i32
      %parallel_loop3A_142 = arith.cmpi sgt, %parallel_loop3A_132, %parallel_loop3A_141 : i32
      %parallel_loop3A_143 = arith.extui %parallel_loop3A_142 : i1 to i32
      %parallel_loop3A_144 = arith.constant 0 : i32
      %parallel_loop3A_145 = arith.cmpi slt, %parallel_loop3A_132, %parallel_loop3A_144 : i32
      %parallel_loop3A_146 = arith.extui %parallel_loop3A_145 : i1 to i32
      %parallel_loop3A_147 = arith.subi %parallel_loop3A_143, %parallel_loop3A_146 : i32
      %parallel_loop3A_148 = arith.cmpi ne, %parallel_loop3A_140, %parallel_loop3A_147 : i32
      %parallel_loop3A_149 = arith.remsi %parallel_loop3A_131, %parallel_loop3A_132 : i32
      %parallel_loop3A_150 = arith.constant 0 : i32
      %parallel_loop3A_151 = arith.cmpi ne, %parallel_loop3A_149, %parallel_loop3A_150 : i32
      %parallel_loop3A_152 = arith.andi %parallel_loop3A_148, %parallel_loop3A_151 : i1
      %parallel_loop3A_153 = arith.constant 1 : i32
      %parallel_loop3A_154 = arith.subi %parallel_loop3A_133, %parallel_loop3A_153 : i32
      %parallel_loop3A_155 = arith.select %parallel_loop3A_152, %parallel_loop3A_154, %parallel_loop3A_133 : i32
      %parallel_loop3A_156 = arith.constant 16 : i32
      %parallel_loop3A_157 = arith.constant 0 : i32
      %parallel_loop3A_158 = arith.cmpi eq, %parallel_loop3A_156, %parallel_loop3A_157 : i32
      %parallel_loop3A_159 = arith.constant 1 : i32
      %parallel_loop3A_160 = arith.select %parallel_loop3A_158, %parallel_loop3A_159, %parallel_loop3A_156 : i32
      %parallel_loop3A_161 = arith.remsi %parallel_loop3A_131, %parallel_loop3A_160 : i32
      %parallel_loop3A_162 = arith.constant 0 : i32
      %parallel_loop3A_163 = arith.cmpi ne, %parallel_loop3A_161, %parallel_loop3A_162 : i32
      %parallel_loop3A_164 = arith.constant 0 : i32
      %parallel_loop3A_165 = arith.cmpi slt, %parallel_loop3A_161, %parallel_loop3A_164 : i32
      %parallel_loop3A_166 = arith.constant 0 : i32
      %parallel_loop3A_167 = arith.cmpi slt, %parallel_loop3A_160, %parallel_loop3A_166 : i32
      %parallel_loop3A_168 = arith.xori %parallel_loop3A_165, %parallel_loop3A_167 : i1
      %parallel_loop3A_169 = arith.andi %parallel_loop3A_168, %parallel_loop3A_163 : i1
      %parallel_loop3A_170 = arith.addi %parallel_loop3A_161, %parallel_loop3A_160 : i32
      %parallel_loop3A_171 = arith.select %parallel_loop3A_169, %parallel_loop3A_170, %parallel_loop3A_161 : i32
      %parallel_loop3A_172 = arith.subi %parallel_loop3A_155, %parallel_loop3A_126 : i32
      %parallel_loop3A_173 = arith.constant 16 : i32
      %parallel_loop3A_174 = arith.addi %parallel_loop3A_172, %parallel_loop3A_173 : i32
      %parallel_loop3A_175 = arith.constant 1 : i32
      %parallel_loop3A_176 = arith.subi %parallel_loop3A_174, %parallel_loop3A_175 : i32
      %parallel_loop3A_177 = arith.constant 31 : i32
      %parallel_loop3A_178 = arith.muli %parallel_loop3A_177, %parallel_loop3A_176 : i32
      %parallel_loop3A_179 = arith.addi %parallel_loop3A_178, %parallel_loop3A_171 : i32
      %parallel_loop3A_180 = arith.constant 16 : i32
      %parallel_loop3A_181 = arith.addi %parallel_loop3A_179, %parallel_loop3A_180 : i32
      %parallel_loop3A_182 = arith.constant 1 : i32
      %parallel_loop3A_183 = arith.subi %parallel_loop3A_181, %parallel_loop3A_182 : i32
      %parallel_loop3A_184 = vector.broadcast %parallel_loop3A_183 : i32 to vector<16xi32>
      %parallel_loop3A_185 = arith.subi %parallel_loop3A_184, %iota3A : vector<16xi32>
      %parallel_loop3A_186 = arith.constant 0 : i32
      %parallel_loop3A_187 = vector.broadcast %parallel_loop3A_186 : i32 to vector<16xi32>
      %parallel_loop3A_188 = arith.addi %parallel_loop3A_185, %parallel_loop3A_187 : vector<16xi32>
      %parallel_loop3A_189 = tpu.vector_load_idx %arg4[%parallel_loop3A_188] : memref<7688xf32, #tpu.memory_space<vmem>>[vector<16xi32>], vector<16xf32>,
      %parallel_loop3A_190 = arith.constant 0 : i32
      %parallel_loop3A_191 = arith.index_cast %parallel_loop3A_190 : i32 to index
      %parallel_loop3A_192 = arith.index_cast %parallel_loop3A_110 : i32 to index
      %parallel_loop3A_193 = arith.index_cast %parallel_loop3A_128 : i32 to index
      %parallel_loop3A_194 = tpu.vector_load %arg5[%parallel_loop3A_191, %parallel_loop3A_192, %parallel_loop3A_193] {strides = array<i32>} : memref<8x8x256xf32, #tpu.memory_space<vmem>>, vector<16xf32>,
      tpu.vector_store %arg5[%parallel_loop3A_191, %parallel_loop3A_192, %parallel_loop3A_193], %parallel_loop3A_189 {strides = array<i32>} : memref<8x8x256xf32, #tpu.memory_space<vmem>>, vector<16xf32>,
      %parallel_loop3A_195 = arith.constant 961 : i32
      %parallel_loop3A_196 = vector.broadcast %parallel_loop3A_195 : i32 to vector<16xi32>
      %parallel_loop3A_197 = arith.addi %parallel_loop3A_185, %parallel_loop3A_196 : vector<16xi32>
      %parallel_loop3A_198 = tpu.vector_load_idx %arg4[%parallel_loop3A_197] : memref<7688xf32, #tpu.memory_space<vmem>>[vector<16xi32>], vector<16xf32>,
      %parallel_loop3A_199 = arith.constant 1 : i32
      %parallel_loop3A_200 = arith.index_cast %parallel_loop3A_199 : i32 to index
      %parallel_loop3A_201 = arith.index_cast %parallel_loop3A_110 : i32 to index
      %parallel_loop3A_202 = arith.index_cast %parallel_loop3A_128 : i32 to index
      %parallel_loop3A_203 = tpu.vector_load %arg5[%parallel_loop3A_200, %parallel_loop3A_201, %parallel_loop3A_202] {strides = array<i32>} : memref<8x8x256xf32, #tpu.memory_space<vmem>>, vector<16xf32>,
      tpu.vector_store %arg5[%parallel_loop3A_200, %parallel_loop3A_201, %parallel_loop3A_202], %parallel_loop3A_198 {strides = array<i32>} : memref<8x8x256xf32, #tpu.memory_space<vmem>>, vector<16xf32>,
      %parallel_loop3A_204 = arith.constant 1922 : i32
      %parallel_loop3A_205 = vector.broadcast %parallel_loop3A_204 : i32 to vector<16xi32>
      %parallel_loop3A_206 = arith.addi %parallel_loop3A_185, %parallel_loop3A_205 : vector<16xi32>
      %parallel_loop3A_207 = tpu.vector_load_idx %arg4[%parallel_loop3A_206] : memref<7688xf32, #tpu.memory_space<vmem>>[vector<16xi32>], vector<16xf32>,
      %parallel_loop3A_208 = arith.constant 2 : i32
      %parallel_loop3A_209 = arith.index_cast %parallel_loop3A_208 : i32 to index
      %parallel_loop3A_210 = arith.index_cast %parallel_loop3A_110 : i32 to index
      %parallel_loop3A_211 = arith.index_cast %parallel_loop3A_128 : i32 to index
      %parallel_loop3A_212 = tpu.vector_load %arg5[%parallel_loop3A_209, %parallel_loop3A_210, %parallel_loop3A_211] {strides = array<i32>} : memref<8x8x256xf32, #tpu.memory_space<vmem>>, vector<16xf32>,
      tpu.vector_store %arg5[%parallel_loop3A_209, %parallel_loop3A_210, %parallel_loop3A_211], %parallel_loop3A_207 {strides = array<i32>} : memref<8x8x256xf32, #tpu.memory_space<vmem>>, vector<16xf32>,
      %parallel_loop3A_213 = arith.constant 2883 : i32
      %parallel_loop3A_214 = vector.broadcast %parallel_loop3A_213 : i32 to vector<16xi32>
      %parallel_loop3A_215 = arith.addi %parallel_loop3A_185, %parallel_loop3A_214 : vector<16xi32>
      %parallel_loop3A_216 = tpu.vector_load_idx %arg4[%parallel_loop3A_215] : memref<7688xf32, #tpu.memory_space<vmem>>[vector<16xi32>], vector<16xf32>,
      %parallel_loop3A_217 = arith.constant 3 : i32
      %parallel_loop3A_218 = arith.index_cast %parallel_loop3A_217 : i32 to index
      %parallel_loop3A_219 = arith.index_cast %parallel_loop3A_110 : i32 to index
      %parallel_loop3A_220 = arith.index_cast %parallel_loop3A_128 : i32 to index
      %parallel_loop3A_221 = tpu.vector_load %arg5[%parallel_loop3A_218, %parallel_loop3A_219, %parallel_loop3A_220] {strides = array<i32>} : memref<8x8x256xf32, #tpu.memory_space<vmem>>, vector<16xf32>,
      tpu.vector_store %arg5[%parallel_loop3A_218, %parallel_loop3A_219, %parallel_loop3A_220], %parallel_loop3A_216 {strides = array<i32>} : memref<8x8x256xf32, #tpu.memory_space<vmem>>, vector<16xf32>,
      %parallel_loop3A_222 = arith.constant 3844 : i32
      %parallel_loop3A_223 = vector.broadcast %parallel_loop3A_222 : i32 to vector<16xi32>
      %parallel_loop3A_224 = arith.addi %parallel_loop3A_185, %parallel_loop3A_223 : vector<16xi32>
      %parallel_loop3A_225 = tpu.vector_load_idx %arg4[%parallel_loop3A_224] : memref<7688xf32, #tpu.memory_space<vmem>>[vector<16xi32>], vector<16xf32>,
      %parallel_loop3A_226 = arith.constant 4 : i32
      %parallel_loop3A_227 = arith.index_cast %parallel_loop3A_226 : i32 to index
      %parallel_loop3A_228 = arith.index_cast %parallel_loop3A_110 : i32 to index
      %parallel_loop3A_229 = arith.index_cast %parallel_loop3A_128 : i32 to index
      %parallel_loop3A_230 = tpu.vector_load %arg5[%parallel_loop3A_227, %parallel_loop3A_228, %parallel_loop3A_229] {strides = array<i32>} : memref<8x8x256xf32, #tpu.memory_space<vmem>>, vector<16xf32>,
      tpu.vector_store %arg5[%parallel_loop3A_227, %parallel_loop3A_228, %parallel_loop3A_229], %parallel_loop3A_225 {strides = array<i32>} : memref<8x8x256xf32, #tpu.memory_space<vmem>>, vector<16xf32>,
      %parallel_loop3A_231 = arith.constant 4805 : i32
      %parallel_loop3A_232 = vector.broadcast %parallel_loop3A_231 : i32 to vector<16xi32>
      %parallel_loop3A_233 = arith.addi %parallel_loop3A_185, %parallel_loop3A_232 : vector<16xi32>
      %parallel_loop3A_234 = tpu.vector_load_idx %arg4[%parallel_loop3A_233] : memref<7688xf32, #tpu.memory_space<vmem>>[vector<16xi32>], vector<16xf32>,
      %parallel_loop3A_235 = arith.constant 5 : i32
      %parallel_loop3A_236 = arith.index_cast %parallel_loop3A_235 : i32 to index
      %parallel_loop3A_237 = arith.index_cast %parallel_loop3A_110 : i32 to index
      %parallel_loop3A_238 = arith.index_cast %parallel_loop3A_128 : i32 to index
      %parallel_loop3A_239 = tpu.vector_load %arg5[%parallel_loop3A_236, %parallel_loop3A_237, %parallel_loop3A_238] {strides = array<i32>} : memref<8x8x256xf32, #tpu.memory_space<vmem>>, vector<16xf32>,
      tpu.vector_store %arg5[%parallel_loop3A_236, %parallel_loop3A_237, %parallel_loop3A_238], %parallel_loop3A_234 {strides = array<i32>} : memref<8x8x256xf32, #tpu.memory_space<vmem>>, vector<16xf32>,
      %parallel_loop3A_240 = arith.constant 5766 : i32
      %parallel_loop3A_241 = vector.broadcast %parallel_loop3A_240 : i32 to vector<16xi32>
      %parallel_loop3A_242 = arith.addi %parallel_loop3A_185, %parallel_loop3A_241 : vector<16xi32>
      %parallel_loop3A_243 = tpu.vector_load_idx %arg4[%parallel_loop3A_242] : memref<7688xf32, #tpu.memory_space<vmem>>[vector<16xi32>], vector<16xf32>,
      %parallel_loop3A_244 = arith.constant 6 : i32
      %parallel_loop3A_245 = arith.index_cast %parallel_loop3A_244 : i32 to index
      %parallel_loop3A_246 = arith.index_cast %parallel_loop3A_110 : i32 to index
      %parallel_loop3A_247 = arith.index_cast %parallel_loop3A_128 : i32 to index
      %parallel_loop3A_248 = tpu.vector_load %arg5[%parallel_loop3A_245, %parallel_loop3A_246, %parallel_loop3A_247] {strides = array<i32>} : memref<8x8x256xf32, #tpu.memory_space<vmem>>, vector<16xf32>,
      tpu.vector_store %arg5[%parallel_loop3A_245, %parallel_loop3A_246, %parallel_loop3A_247], %parallel_loop3A_243 {strides = array<i32>} : memref<8x8x256xf32, #tpu.memory_space<vmem>>, vector<16xf32>,
      %parallel_loop3A_249 = arith.constant 6727 : i32
      %parallel_loop3A_250 = vector.broadcast %parallel_loop3A_249 : i32 to vector<16xi32>
      %parallel_loop3A_251 = arith.addi %parallel_loop3A_185, %parallel_loop3A_250 : vector<16xi32>
      %parallel_loop3A_252 = tpu.vector_load_idx %arg4[%parallel_loop3A_251] : memref<7688xf32, #tpu.memory_space<vmem>>[vector<16xi32>], vector<16xf32>,
      %parallel_loop3A_253 = arith.constant 7 : i32
      %parallel_loop3A_254 = arith.index_cast %parallel_loop3A_253 : i32 to index
      %parallel_loop3A_255 = arith.index_cast %parallel_loop3A_110 : i32 to index
      %parallel_loop3A_256 = arith.index_cast %parallel_loop3A_128 : i32 to index
      %parallel_loop3A_257 = tpu.vector_load %arg5[%parallel_loop3A_254, %parallel_loop3A_255, %parallel_loop3A_256] {strides = array<i32>} : memref<8x8x256xf32, #tpu.memory_space<vmem>>, vector<16xf32>,
      tpu.vector_store %arg5[%parallel_loop3A_254, %parallel_loop3A_255, %parallel_loop3A_256], %parallel_loop3A_252 {strides = array<i32>} : memref<8x8x256xf32, #tpu.memory_space<vmem>>, vector<16xf32>,
    } {sc.loop_unroll_factor = 2 : i64, sc.parallel_access}
    %add3A_59 = arith.constant 16 : i32
    %add3A_60 = arith.addi %mul3A_34, %add3A_59 : i32
    %dma_start3A_61 = arith.constant 0 : i32
    %dma_start3A_62 = tpu.memref_slice %arg3[%mul3A_11, %add3A_60, %dma_start3A_61] : memref<32x256x256xf32, #tpu.memory_space<hbm>> -> memref<8x8x256xf32, #tpu.memory_space<hbm>>
    %dma_start3A_63 = arith.constant 0 : i32
    %dma_start3A_64 = tpu.memref_slice %arg3[%mul3A_11, %add3A_60, %dma_start3A_63] : memref<32x256x256xf32, #tpu.memory_space<hbm>> -> memref<8x8x256xf32, #tpu.memory_space<hbm>>
    tpu.enqueue_dma source(%arg5 : memref<8x8x256xf32, #tpu.memory_space<vmem>>) target(%dma_start3A_64 : memref<8x8x256xf32, #tpu.memory_space<hbm>>) target_semaphore(%arg7 : memref<!tpu.dma_semaphore, #tpu.memory_space<semaphore_mem>>)
    %dma_wait3A_65 = arith.constant 0 : i32
    %dma_wait3A_66 = tpu.memref_slice %arg3[%mul3A_11, %add3A_48, %dma_wait3A_65] : memref<32x256x256xf32, #tpu.memory_space<hbm>> -> memref<8x8x256xf32, #tpu.memory_space<hbm>>
    %dma_wait3A_67 = arith.constant 0 : i32
    %dma_wait3A_68 = tpu.memref_slice %arg3[%mul3A_11, %add3A_48, %dma_wait3A_67] : memref<32x256x256xf32, #tpu.memory_space<hbm>> -> memref<8x8x256xf32, #tpu.memory_space<hbm>>
    tpu.wait_dma2 semaphore(%arg8 : memref<!tpu.dma_semaphore, #tpu.memory_space<semaphore_mem>>) src(%arg6 : memref<8x8x256xf32, #tpu.memory_space<vmem>>) dst(%dma_wait3A_68 : memref<8x8x256xf32, #tpu.memory_space<hbm>>)
    %parallel_loop3A_69 = arith.constant 0 : i32
    %parallel_loop3A_70 = arith.constant 128 : i32
    %parallel_loop3A_71 = arith.constant 1 : i32
    scf.for %parallel_loop3A_86 = %parallel_loop3A_69 to %parallel_loop3A_70 step %parallel_loop3A_71  : i32 {
      %parallel_loop3A_87 = arith.constant 16 : i32
      %parallel_loop3A_88 = arith.divsi %parallel_loop3A_86, %parallel_loop3A_87 : i32
      %parallel_loop3A_89 = arith.constant 0 : i32
      %parallel_loop3A_90 = arith.cmpi sgt, %parallel_loop3A_86, %parallel_loop3A_89 : i32
      %parallel_loop3A_91 = arith.extui %parallel_loop3A_90 : i1 to i32
      %parallel_loop3A_92 = arith.constant 0 : i32
      %parallel_loop3A_93 = arith.cmpi slt, %parallel_loop3A_86, %parallel_loop3A_92 : i32
      %parallel_loop3A_94 = arith.extui %parallel_loop3A_93 : i1 to i32
      %parallel_loop3A_95 = arith.subi %parallel_loop3A_91, %parallel_loop3A_94 : i32
      %parallel_loop3A_96 = arith.constant 0 : i32
      %parallel_loop3A_97 = arith.cmpi sgt, %parallel_loop3A_87, %parallel_loop3A_96 : i32
      %parallel_loop3A_98 = arith.extui %parallel_loop3A_97 : i1 to i32
      %parallel_loop3A_99 = arith.constant 0 : i32
      %parallel_loop3A_100 = arith.cmpi slt, %parallel_loop3A_87, %parallel_loop3A_99 : i32
      %parallel_loop3A_101 = arith.extui %parallel_loop3A_100 : i1 to i32
      %parallel_loop3A_102 = arith.subi %parallel_loop3A_98, %parallel_loop3A_101 : i32
      %parallel_loop3A_103 = arith.cmpi ne, %parallel_loop3A_95, %parallel_loop3A_102 : i32
      %parallel_loop3A_104 = arith.remsi %parallel_loop3A_86, %parallel_loop3A_87 : i32
      %parallel_loop3A_105 = arith.constant 0 : i32
      %parallel_loop3A_106 = arith.cmpi ne, %parallel_loop3A_104, %parallel_loop3A_105 : i32
      %parallel_loop3A_107 = arith.andi %parallel_loop3A_103, %parallel_loop3A_106 : i1
      %parallel_loop3A_108 = arith.constant 1 : i32
      %parallel_loop3A_109 = arith.subi %parallel_loop3A_88, %parallel_loop3A_108 : i32
      %parallel_loop3A_110 = arith.select %parallel_loop3A_107, %parallel_loop3A_109, %parallel_loop3A_88 : i32
      %parallel_loop3A_111 = arith.constant 16 : i32
      %parallel_loop3A_112 = arith.constant 0 : i32
      %parallel_loop3A_113 = arith.cmpi eq, %parallel_loop3A_111, %parallel_loop3A_112 : i32
      %parallel_loop3A_114 = arith.constant 1 : i32
      %parallel_loop3A_115 = arith.select %parallel_loop3A_113, %parallel_loop3A_114, %parallel_loop3A_111 : i32
      %parallel_loop3A_116 = arith.remsi %parallel_loop3A_86, %parallel_loop3A_115 : i32
      %parallel_loop3A_117 = arith.constant 0 : i32
      %parallel_loop3A_118 = arith.cmpi ne, %parallel_loop3A_116, %parallel_loop3A_117 : i32
      %parallel_loop3A_119 = arith.constant 0 : i32
      %parallel_loop3A_120 = arith.cmpi slt, %parallel_loop3A_116, %parallel_loop3A_119 : i32
      %parallel_loop3A_121 = arith.constant 0 : i32
      %parallel_loop3A_122 = arith.cmpi slt, %parallel_loop3A_115, %parallel_loop3A_121 : i32
      %parallel_loop3A_123 = arith.xori %parallel_loop3A_120, %parallel_loop3A_122 : i1
      %parallel_loop3A_124 = arith.andi %parallel_loop3A_123, %parallel_loop3A_118 : i1
      %parallel_loop3A_125 = arith.addi %parallel_loop3A_116, %parallel_loop3A_115 : i32
      %parallel_loop3A_126 = arith.select %parallel_loop3A_124, %parallel_loop3A_125, %parallel_loop3A_116 : i32
      %parallel_loop3A_127 = arith.constant 16 : i32
      %parallel_loop3A_128 = arith.muli %parallel_loop3A_126, %parallel_loop3A_127 : i32
      %parallel_loop3A_129 = arith.constant 24 : i32
      %parallel_loop3A_130 = arith.addi %mul3A_34, %parallel_loop3A_129 : i32
      %parallel_loop3A_131 = arith.addi %parallel_loop3A_130, %parallel_loop3A_110 : i32
      %parallel_loop3A_132 = arith.constant 16 : i32
      %parallel_loop3A_133 = arith.divsi %parallel_loop3A_131, %parallel_loop3A_132 : i32
      %parallel_loop3A_134 = arith.constant 0 : i32
      %parallel_loop3A_135 = arith.cmpi sgt, %parallel_loop3A_131, %parallel_loop3A_134 : i32
      %parallel_loop3A_136 = arith.extui %parallel_loop3A_135 : i1 to i32
      %parallel_loop3A_137 = arith.constant 0 : i32
      %parallel_loop3A_138 = arith.cmpi slt, %parallel_loop3A_131, %parallel_loop3A_137 : i32
      %parallel_loop3A_139 = arith.extui %parallel_loop3A_138 : i1 to i32
      %parallel_loop3A_140 = arith.subi %parallel_loop3A_136, %parallel_loop3A_139 : i32
      %parallel_loop3A_141 = arith.constant 0 : i32
      %parallel_loop3A_142 = arith.cmpi sgt, %parallel_loop3A_132, %parallel_loop3A_141 : i32
      %parallel_loop3A_143 = arith.extui %parallel_loop3A_142 : i1 to i32
      %parallel_loop3A_144 = arith.constant 0 : i32
      %parallel_loop3A_145 = arith.cmpi slt, %parallel_loop3A_132, %parallel_loop3A_144 : i32
      %parallel_loop3A_146 = arith.extui %parallel_loop3A_145 : i1 to i32
      %parallel_loop3A_147 = arith.subi %parallel_loop3A_143, %parallel_loop3A_146 : i32
      %parallel_loop3A_148 = arith.cmpi ne, %parallel_loop3A_140, %parallel_loop3A_147 : i32
      %parallel_loop3A_149 = arith.remsi %parallel_loop3A_131, %parallel_loop3A_132 : i32
      %parallel_loop3A_150 = arith.constant 0 : i32
      %parallel_loop3A_151 = arith.cmpi ne, %parallel_loop3A_149, %parallel_loop3A_150 : i32
      %parallel_loop3A_152 = arith.andi %parallel_loop3A_148, %parallel_loop3A_151 : i1
      %parallel_loop3A_153 = arith.constant 1 : i32
      %parallel_loop3A_154 = arith.subi %parallel_loop3A_133, %parallel_loop3A_153 : i32
      %parallel_loop3A_155 = arith.select %parallel_loop3A_152, %parallel_loop3A_154, %parallel_loop3A_133 : i32
      %parallel_loop3A_156 = arith.constant 16 : i32
      %parallel_loop3A_157 = arith.constant 0 : i32
      %parallel_loop3A_158 = arith.cmpi eq, %parallel_loop3A_156, %parallel_loop3A_157 : i32
      %parallel_loop3A_159 = arith.constant 1 : i32
      %parallel_loop3A_160 = arith.select %parallel_loop3A_158, %parallel_loop3A_159, %parallel_loop3A_156 : i32
      %parallel_loop3A_161 = arith.remsi %parallel_loop3A_131, %parallel_loop3A_160 : i32
      %parallel_loop3A_162 = arith.constant 0 : i32
      %parallel_loop3A_163 = arith.cmpi ne, %parallel_loop3A_161, %parallel_loop3A_162 : i32
      %parallel_loop3A_164 = arith.constant 0 : i32
      %parallel_loop3A_165 = arith.cmpi slt, %parallel_loop3A_161, %parallel_loop3A_164 : i32
      %parallel_loop3A_166 = arith.constant 0 : i32
      %parallel_loop3A_167 = arith.cmpi slt, %parallel_loop3A_160, %parallel_loop3A_166 : i32
      %parallel_loop3A_168 = arith.xori %parallel_loop3A_165, %parallel_loop3A_167 : i1
      %parallel_loop3A_169 = arith.andi %parallel_loop3A_168, %parallel_loop3A_163 : i1
      %parallel_loop3A_170 = arith.addi %parallel_loop3A_161, %parallel_loop3A_160 : i32
      %parallel_loop3A_171 = arith.select %parallel_loop3A_169, %parallel_loop3A_170, %parallel_loop3A_161 : i32
      %parallel_loop3A_172 = arith.subi %parallel_loop3A_155, %parallel_loop3A_126 : i32
      %parallel_loop3A_173 = arith.constant 16 : i32
      %parallel_loop3A_174 = arith.addi %parallel_loop3A_172, %parallel_loop3A_173 : i32
      %parallel_loop3A_175 = arith.constant 1 : i32
      %parallel_loop3A_176 = arith.subi %parallel_loop3A_174, %parallel_loop3A_175 : i32
      %parallel_loop3A_177 = arith.constant 31 : i32
      %parallel_loop3A_178 = arith.muli %parallel_loop3A_177, %parallel_loop3A_176 : i32
      %parallel_loop3A_179 = arith.addi %parallel_loop3A_178, %parallel_loop3A_171 : i32
      %parallel_loop3A_180 = arith.constant 16 : i32
      %parallel_loop3A_181 = arith.addi %parallel_loop3A_179, %parallel_loop3A_180 : i32
      %parallel_loop3A_182 = arith.constant 1 : i32
      %parallel_loop3A_183 = arith.subi %parallel_loop3A_181, %parallel_loop3A_182 : i32
      %parallel_loop3A_184 = vector.broadcast %parallel_loop3A_183 : i32 to vector<16xi32>
      %parallel_loop3A_185 = arith.subi %parallel_loop3A_184, %iota3A : vector<16xi32>
      %parallel_loop3A_186 = arith.constant 0 : i32
      %parallel_loop3A_187 = vector.broadcast %parallel_loop3A_186 : i32 to vector<16xi32>
      %parallel_loop3A_188 = arith.addi %parallel_loop3A_185, %parallel_loop3A_187 : vector<16xi32>
      %parallel_loop3A_189 = tpu.vector_load_idx %arg4[%parallel_loop3A_188] : memref<7688xf32, #tpu.memory_space<vmem>>[vector<16xi32>], vector<16xf32>,
      %parallel_loop3A_190 = arith.constant 0 : i32
      %parallel_loop3A_191 = arith.index_cast %parallel_loop3A_190 : i32 to index
      %parallel_loop3A_192 = arith.index_cast %parallel_loop3A_110 : i32 to index
      %parallel_loop3A_193 = arith.index_cast %parallel_loop3A_128 : i32 to index
      %parallel_loop3A_194 = tpu.vector_load %arg6[%parallel_loop3A_191, %parallel_loop3A_192, %parallel_loop3A_193] {strides = array<i32>} : memref<8x8x256xf32, #tpu.memory_space<vmem>>, vector<16xf32>,
      tpu.vector_store %arg6[%parallel_loop3A_191, %parallel_loop3A_192, %parallel_loop3A_193], %parallel_loop3A_189 {strides = array<i32>} : memref<8x8x256xf32, #tpu.memory_space<vmem>>, vector<16xf32>,
      %parallel_loop3A_195 = arith.constant 961 : i32
      %parallel_loop3A_196 = vector.broadcast %parallel_loop3A_195 : i32 to vector<16xi32>
      %parallel_loop3A_197 = arith.addi %parallel_loop3A_185, %parallel_loop3A_196 : vector<16xi32>
      %parallel_loop3A_198 = tpu.vector_load_idx %arg4[%parallel_loop3A_197] : memref<7688xf32, #tpu.memory_space<vmem>>[vector<16xi32>], vector<16xf32>,
      %parallel_loop3A_199 = arith.constant 1 : i32
      %parallel_loop3A_200 = arith.index_cast %parallel_loop3A_199 : i32 to index
      %parallel_loop3A_201 = arith.index_cast %parallel_loop3A_110 : i32 to index
      %parallel_loop3A_202 = arith.index_cast %parallel_loop3A_128 : i32 to index
      %parallel_loop3A_203 = tpu.vector_load %arg6[%parallel_loop3A_200, %parallel_loop3A_201, %parallel_loop3A_202] {strides = array<i32>} : memref<8x8x256xf32, #tpu.memory_space<vmem>>, vector<16xf32>,
      tpu.vector_store %arg6[%parallel_loop3A_200, %parallel_loop3A_201, %parallel_loop3A_202], %parallel_loop3A_198 {strides = array<i32>} : memref<8x8x256xf32, #tpu.memory_space<vmem>>, vector<16xf32>,
      %parallel_loop3A_204 = arith.constant 1922 : i32
      %parallel_loop3A_205 = vector.broadcast %parallel_loop3A_204 : i32 to vector<16xi32>
      %parallel_loop3A_206 = arith.addi %parallel_loop3A_185, %parallel_loop3A_205 : vector<16xi32>
      %parallel_loop3A_207 = tpu.vector_load_idx %arg4[%parallel_loop3A_206] : memref<7688xf32, #tpu.memory_space<vmem>>[vector<16xi32>], vector<16xf32>,
      %parallel_loop3A_208 = arith.constant 2 : i32
      %parallel_loop3A_209 = arith.index_cast %parallel_loop3A_208 : i32 to index
      %parallel_loop3A_210 = arith.index_cast %parallel_loop3A_110 : i32 to index
      %parallel_loop3A_211 = arith.index_cast %parallel_loop3A_128 : i32 to index
      %parallel_loop3A_212 = tpu.vector_load %arg6[%parallel_loop3A_209, %parallel_loop3A_210, %parallel_loop3A_211] {strides = array<i32>} : memref<8x8x256xf32, #tpu.memory_space<vmem>>, vector<16xf32>,
      tpu.vector_store %arg6[%parallel_loop3A_209, %parallel_loop3A_210, %parallel_loop3A_211], %parallel_loop3A_207 {strides = array<i32>} : memref<8x8x256xf32, #tpu.memory_space<vmem>>, vector<16xf32>,
      %parallel_loop3A_213 = arith.constant 2883 : i32
      %parallel_loop3A_214 = vector.broadcast %parallel_loop3A_213 : i32 to vector<16xi32>
      %parallel_loop3A_215 = arith.addi %parallel_loop3A_185, %parallel_loop3A_214 : vector<16xi32>
      %parallel_loop3A_216 = tpu.vector_load_idx %arg4[%parallel_loop3A_215] : memref<7688xf32, #tpu.memory_space<vmem>>[vector<16xi32>], vector<16xf32>,
      %parallel_loop3A_217 = arith.constant 3 : i32
      %parallel_loop3A_218 = arith.index_cast %parallel_loop3A_217 : i32 to index
      %parallel_loop3A_219 = arith.index_cast %parallel_loop3A_110 : i32 to index
      %parallel_loop3A_220 = arith.index_cast %parallel_loop3A_128 : i32 to index
      %parallel_loop3A_221 = tpu.vector_load %arg6[%parallel_loop3A_218, %parallel_loop3A_219, %parallel_loop3A_220] {strides = array<i32>} : memref<8x8x256xf32, #tpu.memory_space<vmem>>, vector<16xf32>,
      tpu.vector_store %arg6[%parallel_loop3A_218, %parallel_loop3A_219, %parallel_loop3A_220], %parallel_loop3A_216 {strides = array<i32>} : memref<8x8x256xf32, #tpu.memory_space<vmem>>, vector<16xf32>,
      %parallel_loop3A_222 = arith.constant 3844 : i32
      %parallel_loop3A_223 = vector.broadcast %parallel_loop3A_222 : i32 to vector<16xi32>
      %parallel_loop3A_224 = arith.addi %parallel_loop3A_185, %parallel_loop3A_223 : vector<16xi32>
      %parallel_loop3A_225 = tpu.vector_load_idx %arg4[%parallel_loop3A_224] : memref<7688xf32, #tpu.memory_space<vmem>>[vector<16xi32>], vector<16xf32>,
      %parallel_loop3A_226 = arith.constant 4 : i32
      %parallel_loop3A_227 = arith.index_cast %parallel_loop3A_226 : i32 to index
      %parallel_loop3A_228 = arith.index_cast %parallel_loop3A_110 : i32 to index
      %parallel_loop3A_229 = arith.index_cast %parallel_loop3A_128 : i32 to index
      %parallel_loop3A_230 = tpu.vector_load %arg6[%parallel_loop3A_227, %parallel_loop3A_228, %parallel_loop3A_229] {strides = array<i32>} : memref<8x8x256xf32, #tpu.memory_space<vmem>>, vector<16xf32>,
      tpu.vector_store %arg6[%parallel_loop3A_227, %parallel_loop3A_228, %parallel_loop3A_229], %parallel_loop3A_225 {strides = array<i32>} : memref<8x8x256xf32, #tpu.memory_space<vmem>>, vector<16xf32>,
      %parallel_loop3A_231 = arith.constant 4805 : i32
      %parallel_loop3A_232 = vector.broadcast %parallel_loop3A_231 : i32 to vector<16xi32>
      %parallel_loop3A_233 = arith.addi %parallel_loop3A_185, %parallel_loop3A_232 : vector<16xi32>
      %parallel_loop3A_234 = tpu.vector_load_idx %arg4[%parallel_loop3A_233] : memref<7688xf32, #tpu.memory_space<vmem>>[vector<16xi32>], vector<16xf32>,
      %parallel_loop3A_235 = arith.constant 5 : i32
      %parallel_loop3A_236 = arith.index_cast %parallel_loop3A_235 : i32 to index
      %parallel_loop3A_237 = arith.index_cast %parallel_loop3A_110 : i32 to index
      %parallel_loop3A_238 = arith.index_cast %parallel_loop3A_128 : i32 to index
      %parallel_loop3A_239 = tpu.vector_load %arg6[%parallel_loop3A_236, %parallel_loop3A_237, %parallel_loop3A_238] {strides = array<i32>} : memref<8x8x256xf32, #tpu.memory_space<vmem>>, vector<16xf32>,
      tpu.vector_store %arg6[%parallel_loop3A_236, %parallel_loop3A_237, %parallel_loop3A_238], %parallel_loop3A_234 {strides = array<i32>} : memref<8x8x256xf32, #tpu.memory_space<vmem>>, vector<16xf32>,
      %parallel_loop3A_240 = arith.constant 5766 : i32
      %parallel_loop3A_241 = vector.broadcast %parallel_loop3A_240 : i32 to vector<16xi32>
      %parallel_loop3A_242 = arith.addi %parallel_loop3A_185, %parallel_loop3A_241 : vector<16xi32>
      %parallel_loop3A_243 = tpu.vector_load_idx %arg4[%parallel_loop3A_242] : memref<7688xf32, #tpu.memory_space<vmem>>[vector<16xi32>], vector<16xf32>,
      %parallel_loop3A_244 = arith.constant 6 : i32
      %parallel_loop3A_245 = arith.index_cast %parallel_loop3A_244 : i32 to index
      %parallel_loop3A_246 = arith.index_cast %parallel_loop3A_110 : i32 to index
      %parallel_loop3A_247 = arith.index_cast %parallel_loop3A_128 : i32 to index
      %parallel_loop3A_248 = tpu.vector_load %arg6[%parallel_loop3A_245, %parallel_loop3A_246, %parallel_loop3A_247] {strides = array<i32>} : memref<8x8x256xf32, #tpu.memory_space<vmem>>, vector<16xf32>,
      tpu.vector_store %arg6[%parallel_loop3A_245, %parallel_loop3A_246, %parallel_loop3A_247], %parallel_loop3A_243 {strides = array<i32>} : memref<8x8x256xf32, #tpu.memory_space<vmem>>, vector<16xf32>,
      %parallel_loop3A_249 = arith.constant 6727 : i32
      %parallel_loop3A_250 = vector.broadcast %parallel_loop3A_249 : i32 to vector<16xi32>
      %parallel_loop3A_251 = arith.addi %parallel_loop3A_185, %parallel_loop3A_250 : vector<16xi32>
      %parallel_loop3A_252 = tpu.vector_load_idx %arg4[%parallel_loop3A_251] : memref<7688xf32, #tpu.memory_space<vmem>>[vector<16xi32>], vector<16xf32>,
      %parallel_loop3A_253 = arith.constant 7 : i32
      %parallel_loop3A_254 = arith.index_cast %parallel_loop3A_253 : i32 to index
      %parallel_loop3A_255 = arith.index_cast %parallel_loop3A_110 : i32 to index
      %parallel_loop3A_256 = arith.index_cast %parallel_loop3A_128 : i32 to index
      %parallel_loop3A_257 = tpu.vector_load %arg6[%parallel_loop3A_254, %parallel_loop3A_255, %parallel_loop3A_256] {strides = array<i32>} : memref<8x8x256xf32, #tpu.memory_space<vmem>>, vector<16xf32>,
      tpu.vector_store %arg6[%parallel_loop3A_254, %parallel_loop3A_255, %parallel_loop3A_256], %parallel_loop3A_252 {strides = array<i32>} : memref<8x8x256xf32, #tpu.memory_space<vmem>>, vector<16xf32>,
    } {sc.loop_unroll_factor = 2 : i64, sc.parallel_access}
    %add3A_72 = arith.constant 24 : i32
    %add3A_73 = arith.addi %mul3A_34, %add3A_72 : i32
    %dma_start3A_74 = arith.constant 0 : i32
    %dma_start3A_75 = tpu.memref_slice %arg3[%mul3A_11, %add3A_73, %dma_start3A_74] : memref<32x256x256xf32, #tpu.memory_space<hbm>> -> memref<8x8x256xf32, #tpu.memory_space<hbm>>
    %dma_start3A_76 = arith.constant 0 : i32
    %dma_start3A_77 = tpu.memref_slice %arg3[%mul3A_11, %add3A_73, %dma_start3A_76] : memref<32x256x256xf32, #tpu.memory_space<hbm>> -> memref<8x8x256xf32, #tpu.memory_space<hbm>>
    tpu.enqueue_dma source(%arg6 : memref<8x8x256xf32, #tpu.memory_space<vmem>>) target(%dma_start3A_77 : memref<8x8x256xf32, #tpu.memory_space<hbm>>) target_semaphore(%arg8 : memref<!tpu.dma_semaphore, #tpu.memory_space<semaphore_mem>>)
    %dma_wait3A_78 = arith.constant 0 : i32
    %dma_wait3A_79 = tpu.memref_slice %arg3[%mul3A_11, %add3A_60, %dma_wait3A_78] : memref<32x256x256xf32, #tpu.memory_space<hbm>> -> memref<8x8x256xf32, #tpu.memory_space<hbm>>
    %dma_wait3A_80 = arith.constant 0 : i32
    %dma_wait3A_81 = tpu.memref_slice %arg3[%mul3A_11, %add3A_60, %dma_wait3A_80] : memref<32x256x256xf32, #tpu.memory_space<hbm>> -> memref<8x8x256xf32, #tpu.memory_space<hbm>>
    tpu.wait_dma2 semaphore(%arg7 : memref<!tpu.dma_semaphore, #tpu.memory_space<semaphore_mem>>) src(%arg5 : memref<8x8x256xf32, #tpu.memory_space<vmem>>) dst(%dma_wait3A_81 : memref<8x8x256xf32, #tpu.memory_space<hbm>>)
    %dma_wait3A_82 = arith.constant 0 : i32
    %dma_wait3A_83 = tpu.memref_slice %arg3[%mul3A_11, %add3A_73, %dma_wait3A_82] : memref<32x256x256xf32, #tpu.memory_space<hbm>> -> memref<8x8x256xf32, #tpu.memory_space<hbm>>
    %dma_wait3A_84 = arith.constant 0 : i32
    %dma_wait3A_85 = tpu.memref_slice %arg3[%mul3A_11, %add3A_73, %dma_wait3A_84] : memref<32x256x256xf32, #tpu.memory_space<hbm>> -> memref<8x8x256xf32, #tpu.memory_space<hbm>>
    tpu.wait_dma2 semaphore(%arg8 : memref<!tpu.dma_semaphore, #tpu.memory_space<semaphore_mem>>) src(%arg6 : memref<8x8x256xf32, #tpu.memory_space<vmem>>) dst(%dma_wait3A_85 : memref<8x8x256xf32, #tpu.memory_space<hbm>>)
    return
  }
}

</mosaic_0001>

<sc_bundles>
// kernel: kernel.3.cloned.1.call-start
scs
__scs_entry_jumppad:
0x0: {  	(pc) =	sbr.rel $0x88, $3  }
0x1: {  	(tag) =	ssettag $0x0;
	lr =	simm.s32 $0x1  }
0x2: {  	[smem:$0x3FA0] =	sst lr;
	_ =	strace $0xD0000000  }
0x3: {  	_ = 	snop  }
0x4: {  	_ = 	snop  }
0x5: {  	_ = 	snop  }
0x6: {  	_ = 	snop  }
0x7: {  	_ = 	snop  }
__scs_overlays_trampoline_lowered:
0x8: {  	[smem:$0x3FAF] =	sst s0  }
0x9: {  	[smem:$0x3FB0] =	sst s1  }
0xa: {  	[smem:$0x3FB1] =	sst s2  }
0xb: {  	[smem:$0x3FB2] =	sst s3  }
0xc: {  	[smem:$0x3FB3] =	sst s4  }
0xd: {  	[smem:$0x3FB4] =	sst s5  }
0xe: {  	[smem:$0x3FB5] =	sst s6  }
0xf: {  	[smem:$0x3FB6] =	sst s7  }
0x10: {  	[smem:$0x3FB7] =	sst s8  }
0x11: {  	[smem:$0x3FB8] =	sst s9;
	s0 =	simm.s32 @!p0 $0x0  }
0x12: {  	s1 =	sld [smem:$0x3F9E];
	s0 =	simm.s32 @p0 $0x1  }
0x13: {  	[smem:$0x3FB9] =	sst s0;
	s0 =	simm.s32 @!p1 $0x0  }
0x14: {  	s2 =	sld [smem:$0x3F9D];
	s0 =	simm.s32 @p1 $0x1  }
0x15: {  	[smem:$0x3FBA] =	sst s0;
	s0 =	simm.s32 @!p2 $0x0  }
0x16: {  	s3 =	sld [smem:$0x3FDB];
	s0 =	simm.s32 @p2 $0x1  }
0x17: {  	s4 =	simm.s32 $0x1BF5;
	[smem:$0x3FBC] =	sst s0  }
0x18: {  	s0 =	sld [smem:$0x3F9F];
	_ =	swait.ge [sflag:s4], $0x0  }
0x19: {  	s7 =	sld [smem:$0x3FA0]  }
0x1a: {  	s8 =	sadd.s32 $0xFFFFE003, lr  }
0x1b: {  	s9 =	sadd.s32 $0xFFFFFEF7, lr;
	s5 =	simm.s32 $0xFFFFFFFF;
	p2 =	slt.u32 s8, $0xFFFFF086  }
0x1c: {  	p1 =	slt.u32 s9, $0xF7A;
	s5 =	simm.s32 @!p2 $0x0  }
0x1d: {  	s5 =	simm.s32 @p1 $0x1;
	p0 =	seq.s32 s7, s2  }
0x1e: {  	s7 =	smul.u32 @!p0 $0xF7A, s2;
	p2 =	seq.s32 @!p0 s5, $0x0  }
0x1f: {  	s9 =	smul.u32 $0xF7A, s1;
	s8 =	simm.s32 @!p0 $0x1BF5;
	p2 =	por !p2, p0  }
0x20: {  	[sflag:s8] =	ssyncset.s32 @!p0 $0xFFFFF086;
	s6 =	sadd.s32 @!p0 s3, s7;
	s7 =	simm.s32 @!p0 $0x108  }
0x21: {  	s3 =	sadd.s32 s3, s9;
	s6 =	sadd.s32 @!p0 $0x88, s6;
	s7 =	simm.s32 @p2 $0x1082  }
0x22: {  	[simem:s7], [sflag:s8] =	dma.local @!p0 [hbm:s6], $0xF7A  }
0x23: {  	s9 =	sor.u32 $0xD0000000, s2;
	s6 =	simm.s32 $0x108;
	_ =	swait.ge @!p0 [sflag:s8], $0x0  }
0x24: {  	s3 =	sadd.s32 $0x88, s3;
	s6 =	simm.s32 @!p1 $0x1082;
	[sflag:s4] =	ssyncset.s32 $0xFFFFF086  }
0x25: {  	[simem:s6], [sflag:s4] =	dma.local [hbm:s3], $0xF7A  }
0x26: {  	[smem:$0x3FA0] =	sst s1;
	(tag) =	ssettag s2;
	_ =	strace s9  }
0x27: {  	s1 =	sld [smem:$0x3FB0]  }
0x28: {  	s2 =	sld [smem:$0x3FB1]  }
0x29: {  	s4 =	sld [smem:$0x3FB3]  }
0x2a: {  	p0 =	seq.s32 s5, $0x0;
	s5 =	sld [smem:$0x3FB4]  }
0x2b: {  	s6 =	sld [smem:$0x3FB5]  }
0x2c: {  	s7 =	sld [smem:$0x3FB6]  }
0x2d: {  	s3 =	simm.s32 $0x108;
	s8 =	sld [smem:$0x3FB7]  }
0x2e: {  	s3 =	simm.s32 @!p0 $0x1082;
	s9 =	sld [smem:$0x3FB8]  }
0x2f: {  	lr =	sadd.s32 s0, s3;
	s0 =	sld [smem:$0x3FAF]  }
0x30: {  	s3 =	sld [smem:$0x3FB2]  }
0x31: {  	[smem:$0x3FBB] =	sst s10  }
0x32: {  	s10 =	sld [smem:$0x3FB9];
	_ =	sdelay $0x3  }
0x33: {  	p0 =	seq.s32 s10, $0x1;
	s10 =	sld [smem:$0x3FBB];
	_ =	sdelay $0x3  }
0x34: {  	[smem:$0x3FBB] =	sst s10  }
0x35: {  	s10 =	sld [smem:$0x3FBA];
	_ =	sdelay $0x3  }
0x36: {  	p1 =	seq.s32 s10, $0x1;
	s10 =	sld [smem:$0x3FBB];
	_ =	sdelay $0x3  }
0x37: {  	[smem:$0x3FBB] =	sst s10  }
0x38: {  	s10 =	sld [smem:$0x3FBC]  }
0x39: {  	_ = 	snop;
	(pc) =	sbr.ind lr, $3  }
0x3a: {  	_ = 	snop  }
0x3b: {  	_ = 	snop  }
0x3c: {  	p2 =	seq.s32 s10, $0x1;
	s10 =	sld [smem:$0x3FBB]  }
0x3d: {  	_ =	shalt  }
0x3e: {  	_ =	shalt  }
0x3f: {  	_ =	shalt  }
0x40: {  	_ =	shalt  }
0x41: {  	_ =	shalt  }
0x42: {  	_ =	shalt  }
0x43: {  	_ =	shalt  }
0x44: {  	_ =	shalt  }
0x45: {  	_ =	shalt  }
0x46: {  	_ =	shalt  }
0x47: {  	_ =	shalt  }
0x48: {  	_ =	shalt  }
0x49: {  	_ =	shalt  }
0x4a: {  	_ =	shalt  }
0x4b: {  	_ =	shalt  }
0x4c: {  	_ =	shalt  }
0x4d: {  	_ =	shalt  }
0x4e: {  	_ =	shalt  }
0x4f: {  	_ =	shalt  }
0x50: {  	_ =	shalt  }
0x51: {  	_ =	shalt  }
0x52: {  	_ =	shalt  }
0x53: {  	_ =	shalt  }
0x54: {  	_ =	shalt  }
0x55: {  	_ =	shalt  }
0x56: {  	_ =	shalt  }
0x57: {  	_ =	shalt  }
0x58: {  	_ =	shalt  }
0x59: {  	_ =	shalt  }
0x5a: {  	_ =	shalt  }
0x5b: {  	_ =	shalt  }
0x5c: {  	_ =	shalt  }
0x5d: {  	_ =	shalt  }
0x5e: {  	_ =	shalt  }
0x5f: {  	_ =	shalt  }
0x60: {  	_ =	shalt  }
0x61: {  	_ =	shalt  }
0x62: {  	_ =	shalt  }
0x63: {  	_ =	shalt  }
0x64: {  	_ =	shalt  }
0x65: {  	_ =	shalt  }
0x66: {  	_ =	shalt  }
0x67: {  	_ =	shalt  }
0x68: {  	_ =	shalt  }
0x69: {  	_ =	shalt  }
0x6a: {  	_ =	shalt  }
0x6b: {  	_ =	shalt  }
0x6c: {  	_ =	shalt  }
0x6d: {  	_ =	shalt  }
0x6e: {  	_ =	shalt  }
0x6f: {  	_ =	shalt  }
0x70: {  	_ =	shalt  }
0x71: {  	_ =	shalt  }
0x72: {  	_ =	shalt  }
0x73: {  	_ =	shalt  }
0x74: {  	_ =	shalt  }
0x75: {  	_ =	shalt  }
0x76: {  	_ =	shalt  }
0x77: {  	_ =	shalt  }
0x78: {  	_ =	shalt  }
0x79: {  	_ =	shalt  }
0x7a: {  	_ =	shalt  }
0x7b: {  	_ =	shalt  }
0x7c: {  	_ =	shalt  }
0x7d: {  	_ =	shalt  }
0x7e: {  	_ =	shalt  }
0x7f: {  	_ =	shalt  }
0x80: {  	_ =	shalt  }
0x81: {  	_ =	shalt  }
0x82: {  	_ =	shalt  }
0x83: {  	_ =	shalt  }
0x84: {  	_ =	shalt  }
0x85: {  	_ =	shalt  }
0x86: {  	_ =	shalt  }
0x87: {  	_ =	shalt  }
.Lfunc_end0:
.L_simem_size_0:
called_computation_lowered:
.L_overlay_start_0:
0x88: {  	s2 =	sld [smem:$0x3FD9]  }
0x89: {  	s3 =	sld [smem:$0x3FFE];
	_ =	sdelay $0x1  }
0x8a: {  	s1 =	srdreg.scid  }
0x8b: {  	s0 =	sand.u32 $0x1, s1  }
0x8c: {  	s17 =	sshll.u32 s0, $0xA;
	s2 =	sadd.s32 s3, s2  }
0x8d: {  	s2 =	sadd.s32 s2, s17  }
0x8e: {  	[smem:$0x3FC7] =	sst s2  }
0x8f: {  	_ = 	snop  }
0x90: {  	s2 =	sld [smem:$0x3FD0];
	(tm) =	ssettm $0x1  }
0x91: {  	s18 =	sld [smem:$0x3FFB];
	_ =	sdelay $0x3  }
0x92: {  	_ =	strace s18  }
0x93: {  	s3 =	sld [smem:$0x3FFC];
	_ =	sdelay $0x3  }
0x94: {  	_ =	strace s3  }
0x95: {  	s3 =	sld [smem:$0x3FFD];
	_ =	sdelay $0x3  }
0x96: {  	_ =	strace s3  }
0x97: {  	_ =	strace $0x8FFFFFFF  }
0x98: {  	s19 =	sld [smem:$0x3FDB];
	_ =	sdelay $0x1  }
0x99: {  	s4 =	simm.s32 $_scs_section_size  }
0x9a: {  	s5 =	simm.s32 $_size__tile_overlayer_lowered;
	s6 =	simm.s32 $_tile_overlayer_lowered  }
0x9b: {  	s22 =	simm.s32 $0x1BFF;
	s21 =	sshll.u32 s6, $0x1;
	s3 =	sadd.s32 s4, s19  }
0x9c: {  	s7 =	simm.s32 $0x0;
	s20 =	sshll.u32 s5, $0x1;
	s5 =	sadd.s32 s21, s3  }
0x9d: {  	[timem:s7], [sflag:s22] =	dma.local [hbm:s5], s20  }
0x9e: {  	_ =	swait.ge [sflag:s22], s20  }
0x9f: {  	s4 =	ssub.s32 $0x0, s20;
	[sflag:s22] =	ssyncset.done $0x0  }
0xa0: {  	[sflag:s22] =	ssyncadd.s32 s4;
	_ =	sdelay $0x1  }
0xa1: {  	s23 =	simm.s32 $0x1B8B  }
0xa2: {  	_ =	swait.ge [sflag:s23], $0x1  }
0xa3: {  	[sflag:s23] =	ssyncset.done $0x0  }
0xa4: {  	s25 =	simm.s32 $0x1B8E;
	s24 =	sld [smem:$0x3FFE];
	[sflag:s23] =	ssyncadd.s32 $0xFFFFFFFF  }
0xa5: {  	s26 =	simm.s32 $execute0_lowered;
	[smem:$0x3FD2] =	sst s25  }
0xa6: {  	s5 =	sshll.u32 s26, $0x1;
	_ =	strace $0x80000046;
	[dreg:$0x1] =	wrdreg $0xFFFFFFFF  }
0xa7: {  	s28 =	simm.s32 $_size_execute0_lowered;
	s3 =	sadd.s32 s3, s5;
	[dreg:$0x0] =	wrdreg $0x0  }
0xa8: {  	s5 =	sshll.u32 s28, $0x1;
	[dreg:$0x2] =	wrdreg s3  }
0xa9: {  	[dreg:$0x3] =	wrdreg s5  }
0xaa: {  	[dreg:$0x4] =	wrdreg $0xC0  }
0xab: {  	_ =	task [dreg:s7], $0x5FFFF  }
0xac: {  	[dreg:$0x1] =	wrdreg $0xFFFFFFFF  }
0xad: {  	[dreg:$0x0] =	wrdreg $0x60  }
0xae: {  	[dreg:$0x2] =	wrdreg s24  }
0xaf: {  	[dreg:$0x3] =	wrdreg s2  }
0xb0: {  	[dreg:$0x4] =	wrdreg $0x9  }
0xb1: {  	_ =	task.clear_ibuf [dreg:s7], $0x5FFFF;
	_ =	strace $0x90000046  }
0xb2: {  	s29 =	simm.s32 $0x9;
	_ =	strace $0x80000048  }
0xb3: {  	_ =	swait.ge [sflag:s29], $0x1  }
0xb4: {  	[sflag:s29] =	ssyncadd.s32 $0xFFFFFFFF  }
0xb5: {  	_ =	strace $0x90000048  }
0xb6: {  	_ =	sfence  }
0xb7: {  	s30 =	sld [smem:$0x0];
	_ =	sdelay $0x2  }
0xb8: {  	s31 =	sshll.u32 s1, $0xD;
	s1 =	sshrl.u32 s1, $0x2  }
0xb9: {  	s3 =	sand.u32 $0x4000, s31;
	s1 =	sadd.s32 s1, s30  }
0xba: {  	s0 =	sor.u32 s3, s0;
	s1 =	sshll.u32 s1, $0x11  }
0xbb: {  	s0 =	sor.u32 s1, s0  }
0xbc: {  	s0 =	sadd.s32 $0x8F2B, s0  }
0xbd: {  	[sflag:s0] =	ssyncadd.remote.s32 $0x1  }
0xbe: {  	_ =	sfence.sel $0xFFFF  }
0xbf: {  	[dreg:$0x0] =	wrdreg $0xFFFFFFFF;
	(pc) =	sbr.abs _section_cstart, $3  }
0xc0: {  	[dreg:$0x1] =	wrdreg $0xFFFFFFFF  }
0xc1: {  	_ =	task.clear_ibuf [dreg:s7], $0x2FFFF;
	_ =	strace $0x9FFFFFFF  }
0xc2: {  	(tm) =	ssettm $0x7FFFFFFF  }
0xc3: {  	_ =	shalt  }
tec
execute0_lowered:
.L_overlay_start_1:
0x0: {  	(tag) =	ssettag $0x1  }
0x1: {  	s9 =	stileid.u32  }
0x2: {  	s0 =	rddreg [dreg:$0x0];
	s1 =	srdreg.scid  }
0x3: {  	s4 =	rddreg [dreg:$0x1];
	s13 =	simm.s32 $0x1;
	s2 =	sshll.u32 s9, $0x1  }
0x4: {  	s1 =	sand.u32 $0x1, s1;
	s3 =	sand.u32 $0x2, s2;
	s2 =	simm.s32 $0x0  }
0x5: {  	s5 =	sor.u32 s1, s3;
	s3 =	sshrl.u32 s9, $0x1;
	s1 =	ssub.s32 $0x2, s1  }
0x6: {  	s6 =	smul.u32 $0x3C1, s5;
	s5 =	sshll.u32 s5, $0x10;
	s7 =	sshll.u32 s3, $0xA  }
0x7: {  	[smem:$0x7FF] =	sst s2;
	s8 =	sshrl.u32 s1, $0x1;
	s5 =	sor.u32 s7, s5  }
0x8: {  	_ =	strace $0x80000047;
	s1 =	ssub.s32 s1, s8;
	s4 =	sadd.s32 s4, s5  }
0x9: {  	v0 =	vlaneseq.u32;
	s0 =	sadd.s32 s6, s0;
	s31 =	smax.u32 s1, $0x1;
	[dreg:$0x3] =	wrdreg s4  }
0xa: {  	s14 =	simm.s32 $0x800;
	v0 =	vmul.u32 $0xFFFFFFFF, v0;
	s0 =	sadd.s32 $0x400, s0;
	[dreg:$0x8] =	wrdreg s31  }
0xb: {  	s15 =	simm.s32 $0x10000;
	s28 =	sadd.s32 $0x100, s4;
	[dreg:$0x4] =	wrdreg s0  }
0xc: {  	s18 =	simm.s32 $0x2;
	v1 =	vadd.s32 $0x3C1, v0;
	s29 =	sadd.s32 $0x200, s4;
	[dreg:$0x5] =	wrdreg s28  }
0xd: {  	s19 =	simm.s32 $0x0;
	v2 =	vadd.s32 $0x782, v0;
	v3 =	vadd.s32 $0xB43, v0;
	v4 =	vadd.s32 $0xF04, v0;
	s30 =	sadd.s32 $0x300, s4;
	[dreg:$0x6] =	wrdreg s29  }
0xe: {  	v5 =	vadd.s32 $0x12C5, v0;
	v6 =	vadd.s32 $0x1686, v0;
	v7 =	vadd.s32 $0x1A47, v0;
	s8 =	sor.u32 $0x1, s9;
	s6 =	sand.u32 $0xE, s9;
	[dreg:$0x7] =	wrdreg s30  }
.LBB2_1:
0xf: {  	s0 =	simm.s32 $0x0  }
0x10: {  	s0 =	sor.u32 s3, s0  }
0x11: {  	p0 =	por $0x0, $0x0;
	p1 =	seq.s32 s0, $0x0  }
0x12: {  	p0 =	por !p0, !p1  }
0x13: {  	s9 =	simm.s32 $0x0;
	s1 =	simm.s32 $0x1;
	p0 =	por !p0, !p0  }
0x14: {  	s0 =	sand.u32 $0xE, s9;
	s1 =	simm.s32 @!p0 $0x0  }
0x15: {  	s5 =	sor.u32 $0x1, s0;
	s1 =	ssub.s32 s6, s1  }
0x16: {  	s7 =	ssub.s32 s1, s5  }
0x17: {  	s7 =	smul.u32 $0x1F, s7;
	_ =	sdelay $0x1  }
0x18: {  	s0 =	ssub.s32 s1, s0;
	s26 =	sadd.s32 $0x1E0, s7  }
0x19: {  	s10 =	rddreg [dreg:$0x4];
	s4 =	simm.s32 $0x3;
	s0 =	smul.u32 $0x1F, s0;
	v8 =	vadd.s32 s26, v0  }
0x1a: {  	[tilespmem:s2], [sflag:$0x3] =	stream.linear.gather [hbm4b:s10+s2], $0x1E08, $0x38;
	[tilespmem:$0x9E80] =	vst v63  }
0x1b: {  	_ =	swait.ge [sflag:s4], $0x1E08;
	s1 =	sadd.s32 $0x1E0, s0  }
0x1c: {  	[sflag:s4] =	ssyncset.done $0x0;
	v9 =	vadd.s32 s1, v0  }
0x1d: {  	[sflag:s4] =	ssyncadd.s32 $0xFFFFE1F8  }
0x1e: {  	v8 =	vld.idx.msk [tilespmem:v8+s2+$0x0], $0xffff  }
0x1f: {  	s11 =	sand.u32 $0x400, s2;
	s12 =	simm.s32 $0x0;
	p3 =	por $0x0, $0x0;
	v10 =	vadd.s32 s26, v1  }
0x20: {  	s20 =	sadd.s32 $0x0, s11;
	s17 =	sor.u32 s3, s12;
	s16 =	sshll.u32 s5, $0x4  }
0x21: {  	s22 =	sadd.s32 $0x1E80, s20;
	p4 =	seq.s32 s17, $0x0;
	s21 =	sand.u32 $0x70, s16;
	v9 =	vld.idx.msk [tilespmem:v9+s2+$0x0], $0xffff  }
0x22: {  	p0 =	por !p3, !p4;
	s0 =	sor.u32 s21, s22;
	v11 =	vadd.s32 s1, v1  }
0x23: {  	s23 =	simm.s32 $0x2;
	p0 =	por !p0, !p0;
	[tilespmem:s0+$0x0] =	vst v8;
	s0 =	simm.s32 $0x1  }
0x24: {  	s24 =	sand.u32 $0x60, s2;
	s5 =	sand.u32 $0xE, s23;
	v8 =	vld.idx.msk [tilespmem:v10+s2+$0x0], $0xffff;
	s0 =	simm.s32 @!p0 $0x0  }
0x25: {  	s9 =	sor.u32 $0x1, s5;
	s7 =	sor.u32 s24, s22;
	v10 =	vadd.s32 s26, v2;
	s0 =	ssub.s32 s6, s0  }
0x26: {  	[tilespmem:s7+$0x0] =	vst v9;
	s25 =	ssub.s32 s0, s9  }
0x27: {  	s10 =	sadd.s32 $0x2680, s20;
	v9 =	vld.idx.msk [tilespmem:v11+s2+$0x0], $0xffff;
	s7 =	smul.u32 $0x1F, s25  }
0x28: {  	s16 =	sor.u32 s21, s10;
	v11 =	vadd.s32 s1, v2  }
0x29: {  	s0 =	ssub.s32 s0, s5;
	[tilespmem:s16+$0x0] =	vst v8;
	s28 =	sadd.s32 $0x1E0, s7  }
0x2a: {  	s0 =	smul.u32 $0x1F, s0;
	v8 =	vld.idx.msk [tilespmem:v10+s2+$0x0], $0xffff;
	v10 =	vadd.s32 s28, v0  }
0x2b: {  	s4 =	sor.u32 s24, s10;
	v12 =	vadd.s32 s26, v3  }
0x2c: {  	s5 =	sadd.s32 $0x1E0, s0;
	[tilespmem:s4+$0x0] =	vst v9  }
0x2d: {  	s7 =	sadd.s32 $0x2E80, s20;
	v9 =	vadd.s32 s5, v0;
	v11 =	vld.idx.msk [tilespmem:v11+s2+$0x0], $0xffff  }
0x2e: {  	s30 =	simm.s32 $0x4;
	v13 =	vadd.s32 s1, v3;
	s10 =	sor.u32 s21, s7  }
0x2f: {  	s31 =	simm.s32 $0x0;
	p5 =	por $0x0, $0x0;
	s11 =	simm.s32 $0x100;
	v10 =	vld.idx.msk [tilespmem:v10+s2+$0x0], $0xffff;
	[tilespmem:s10+$0x0] =	vst v8  }
0x30: {  	s12 =	simm.s32 $0x20;
	s9 =	sshll.u32 s9, $0x4;
	s10 =	sand.u32 $0x400, s11;
	v8 =	vld.idx.msk [tilespmem:v12+s2+$0x0], $0xffff;
	v12 =	vadd.s32 s28, v1  }
0x31: {  	v14 =	vadd.s32 s26, v4;
	s16 =	sor.u32 s3, s31;
	s0 =	sor.u32 s24, s7;
	s22 =	sadd.s32 $0x0, s10  }
0x32: {  	s23 =	sand.u32 $0x70, s9;
	p6 =	seq.s32 s16, $0x0;
	v9 =	vld.idx.msk [tilespmem:v9+s2+$0x0], $0xffff;
	[tilespmem:s0+$0x0] =	vst v11;
	s17 =	sadd.s32 $0x1E80, s22  }
0x33: {  	s4 =	sadd.s32 $0x3680, s20;
	p0 =	por !p5, !p6;
	v11 =	vadd.s32 s5, v1;
	v13 =	vld.idx.msk [tilespmem:v13+s2+$0x0], $0xffff;
	s9 =	sor.u32 s23, s17  }
0x34: {  	v15 =	vadd.s32 s1, v4;
	s16 =	simm.s32 $0x1;
	p0 =	por !p0, !p0;
	s11 =	sor.u32 s21, s4;
	[tilespmem:s9+$0x0] =	vst v10  }
0x35: {  	s25 =	sand.u32 $0x60, s12;
	s7 =	sand.u32 $0xE, s30;
	s16 =	simm.s32 @!p0 $0x0;
	v10 =	vld.idx.msk [tilespmem:v12+s2+$0x0], $0xffff;
	[tilespmem:s11+$0x0] =	vst v8  }
0x36: {  	s16 =	ssub.s32 s6, s16;
	s0 =	sor.u32 $0x1, s7;
	s12 =	sor.u32 s25, s17;
	v12 =	vadd.s32 s28, v2;
	v8 =	vld.idx.msk [tilespmem:v14+s2+$0x0], $0xffff  }
0x37: {  	s10 =	sor.u32 s24, s4;
	s17 =	ssub.s32 s16, s0;
	[tilespmem:s12+$0x0] =	vst v9;
	v9 =	vadd.s32 s26, v5  }
0x38: {  	s4 =	sadd.s32 $0x2680, s22;
	s9 =	smul.u32 $0x1F, s17;
	v11 =	vld.idx.msk [tilespmem:v11+s2+$0x0], $0xffff;
	[tilespmem:s10+$0x0] =	vst v13  }
0x39: {  	s7 =	ssub.s32 s16, s7;
	s17 =	sor.u32 s23, s4;
	v13 =	vadd.s32 s5, v2;
	s11 =	sadd.s32 $0x3E80, s20;
	v15 =	vld.idx.msk [tilespmem:v15+s2+$0x0], $0xffff  }
0x3a: {  	v17 =	vadd.s32 s1, v5;
	s7 =	smul.u32 $0x1F, s7;
	s12 =	sor.u32 s21, s11;
	s29 =	sadd.s32 $0x1E0, s9;
	[tilespmem:s17+$0x0] =	vst v10  }
0x3b: {  	v25 =	vadd.s32 s29, v0;
	v19 =	vld.idx.msk [tilespmem:v12+s2+$0x0], $0xffff;
	[tilespmem:s12+$0x0] =	vst v8  }
0x3c: {  	v22 =	vadd.s32 s26, v6;
	v29 =	vadd.s32 s28, v3;
	s16 =	sor.u32 s25, s4;
	s4 =	sadd.s32 $0x1E0, s7;
	v28 =	vld.idx.msk [tilespmem:v9+s2+$0x0], $0xffff  }
0x3d: {  	v16 =	vadd.s32 s5, v3;
	v26 =	vadd.s32 s4, v0;
	v21 =	vadd.s32 s4, v1;
	s17 =	sor.u32 s24, s11;
	[tilespmem:s16+$0x0] =	vst v11  }
0x3e: {  	s7 =	sadd.s32 $0x2E80, s22;
	v23 =	vadd.s32 s4, v3;
	v18 =	vadd.s32 s4, v4;
	v14 =	vadd.s32 s5, v4;
	v24 =	vld.idx.msk [tilespmem:v13+s2+$0x0], $0xffff;
	[tilespmem:s17+$0x0] =	vst v15  }
0x3f: {  	s9 =	sor.u32 s23, s7;
	v11 =	vadd.s32 s5, v6;
	s11 =	sadd.s32 $0x4680, s20;
	v12 =	vadd.s32 s5, v5;
	v8 =	vadd.s32 s5, v7;
	v20 =	vld.idx.msk [tilespmem:v17+s2+$0x0], $0xffff  }
0x40: {  	s10 =	sor.u32 s25, s7;
	v10 =	vadd.s32 s1, v6;
	s12 =	sor.u32 s21, s11;
	v15 =	vadd.s32 s4, v5;
	v9 =	vadd.s32 s1, v7;
	v27 =	vld.idx.msk [tilespmem:v25+s2+$0x0], $0xffff;
	s1 =	simm.s32 $0x40;
	[tilespmem:s9+$0x0] =	vst v19  }
0x41: {  	v13 =	vadd.s32 s4, v7;
	s7 =	sor.u32 s24, s11;
	s17 =	simm.s32 $0x200;
	v17 =	vadd.s32 s4, v2;
	s16 =	sand.u32 $0x60, s1;
	v19 =	vadd.s32 s4, v6;
	v25 =	vld.idx.msk [tilespmem:v29+s2+$0x0], $0xffff;
	[tilespmem:s12+$0x0] =	vst v28  }
.LBB2_2:
0x42: {  	s30 =	sadd.s32 $0x2, s30;
	s9 =	sand.u32 $0x400, s17;
	s11 =	sshll.u32 s31, $0x7  }
0x43: {  	v28 =	vadd.s32 s29, v1;
	v22 =	vld.idx.msk [tilespmem:v22+s2+$0x0], $0xffff;
	s5 =	smov.u32 s25;
	s25 =	smov.u32 s16;
	s0 =	sshll.u32 s0, $0x4  }
0x44: {  	s31 =	sshrl.u32 s30, $0x4;
	v26 =	vld.idx.msk [tilespmem:v26+s2+$0x0], $0xffff;
	s9 =	sadd.s32 s11, s9;
	[tilespmem:s10+$0x0] =	vst v24;
	v24 =	vadd.s32 s28, v4;
	s16 =	sand.u32 $0x70, s0  }
0x45: {  	p0 =	sne.s32 s31, $0x0;
	s10 =	sadd.s32 $0x1E80, s9;
	v29 =	vld.idx.msk [tilespmem:v16+s2+$0x0], $0xffff;
	[tilespmem:s7+$0x0] =	vst v20;
	v20 =	vadd.s32 s26, v7;
	v16 =	vmov v23;
	s0 =	sor.u32 s3, s31  }
0x46: {  	s11 =	sadd.s32 $0x3680, s22;
	s7 =	sor.u32 s16, s10;
	v23 =	vld.idx.msk [tilespmem:v10+s2+$0x0], $0xffff;
	v10 =	vmov v11;
	v11 =	vmov v19;
	p1 =	seq.s32 s0, $0x0  }
0x47: {  	s0 =	sor.u32 s23, s11;
	s10 =	sor.u32 s25, s10;
	[tilespmem:s7+$0x0] =	vst v27;
	s7 =	sadd.s32 $0x4E80, s20  }
0x48: {  	s11 =	sor.u32 s5, s11;
	p0 =	por !p0, !p1;
	v19 =	vld.idx.msk [tilespmem:v28+s2+$0x0], $0xffff;
	[tilespmem:s0+$0x0] =	vst v25;
	s0 =	sor.u32 s21, s7  }
0x49: {  	p0 =	por !p0, !p0;
	s7 =	sor.u32 s24, s7;
	v24 =	vld.idx.msk [tilespmem:v24+s2+$0x0], $0xffff;
	[tilespmem:s0+$0x0] =	vst v22;
	s0 =	simm.s32 $0x1  }
0x4a: {  	s4 =	sand.u32 $0xE, s30;
	v22 =	vadd.s32 s29, v2;
	s0 =	simm.s32 @!p0 $0x0;
	p0 =	slt.u32 s30, $0x7E;
	[tilespmem:s10+$0x0] =	vst v26;
	v20 =	vld.idx.msk [tilespmem:v20+s2+$0x0], $0xffff  }
0x4b: {  	s26 =	smov.u32 s28;
	v25 =	vadd.s32 s28, v5;
	s10 =	ssub.s32 s6, s0;
	s0 =	sor.u32 $0x1, s4;
	v21 =	vld.idx.msk [tilespmem:v21+s2+$0x0], $0xffff;
	[tilespmem:s11+$0x0] =	vst v29  }
0x4c: {  	s11 =	sadd.s32 $0x2680, s9;
	s4 =	ssub.s32 s10, s4;
	s10 =	ssub.s32 s10, s0;
	v27 =	vld.idx.msk [tilespmem:v14+s2+$0x0], $0xffff;
	[tilespmem:s7+$0x0] =	vst v23;
	v14 =	vmov v18  }
0x4d: {  	s28 =	sadd.s32 $0x3E80, s22;
	s7 =	smul.u32 $0x1F, s10;
	s10 =	sor.u32 s16, s11;
	v28 =	vld.idx.msk [tilespmem:v9+s2+$0x0], $0xffff;
	v9 =	vmov v8;
	v8 =	vmov v13  }
0x4e: {  	s12 =	sadd.s32 $0x1E0, s31;
	s20 =	sadd.s32 $0x5680, s20;
	[tilespmem:s10+$0x0] =	vst v19;
	s10 =	sor.u32 s23, s28  }
0x4f: {  	s4 =	smul.u32 $0x1F, s4;
	s7 =	sadd.s32 s7, s12;
	v29 =	vld.idx.msk [tilespmem:v22+s2+$0x0], $0xffff;
	[tilespmem:s10+$0x0] =	vst v24;
	s10 =	sor.u32 s21, s20  }
0x50: {  	s24 =	sor.u32 s24, s20;
	s11 =	sor.u32 s25, s11;
	s21 =	sor.u32 s5, s28;
	v30 =	vadd.s32 s7, v0;
	v31 =	vld.idx.msk [tilespmem:v25+s2+$0x0], $0xffff;
	[tilespmem:s10+$0x0] =	vst v20  }
0x51: {  	s4 =	sadd.s32 s4, s12;
	s20 =	smov.u32 s22;
	s22 =	smov.u32 s9;
	v25 =	vadd.s32 s29, v3;
	[tilespmem:s11+$0x0] =	vst v21  }
.Ltmp0:
0x52: {  	v22 =	vadd.s32 s26, v6;
	v26 =	vadd.s32 s4, v0;
	v21 =	vadd.s32 s4, v1;
	v24 =	vld.idx.msk [tilespmem:v17+s2+$0x0], $0xffff;
	[tilespmem:s21+$0x0] =	vst v27;
	s21 =	smov.u32 s23;
	s23 =	smov.u32 s16;
	(pc) =	sbr.rel @p0 .LBB2_2-.Ltmp0, $4  }
0x53: {  	s28 =	smov.u32 s29;
	v23 =	vadd.s32 s4, v3;
	v18 =	vadd.s32 s4, v4;
	s9 =	sadd.s32 $0x2E80, s22;
	s29 =	smov.u32 s7;
	v17 =	vadd.s32 s4, v2;
	v20 =	vld.idx.msk [tilespmem:v12+s2+$0x0], $0xffff;
	[tilespmem:s24+$0x0] =	vst v28;
	v12 =	vmovc v15  }
0x54: {  	v19 =	vadd.s32 s4, v6;
	v13 =	vadd.s32 s4, v7;
	s10 =	sor.u32 s25, s9;
	v15 =	vadd.s32 s4, v5;
	s4 =	sor.u32 s23, s9;
	s9 =	sadd.s32 $0x4680, s20  }
0x55: {  	s1 =	sadd.s32 $0x20, s1;
	s7 =	sor.u32 s5, s9;
	v27 =	vld.idx.msk [tilespmem:v30+s2+$0x0], $0xffff;
	[tilespmem:s4+$0x0] =	vst v29;
	s4 =	sor.u32 s21, s9  }
0x56: {  	s17 =	sadd.s32 $0x100, s17;
	s16 =	sand.u32 $0x60, s1;
	s24 =	smov.u32 s5;
	v25 =	vld.idx.msk [tilespmem:v25+s2+$0x0], $0xffff;
	[tilespmem:s4+$0x0] =	vst v31  }
0x57: {  	_ =	sdelay $0x3  }
0x58: {  	s1 =	sand.u32 $0x400, s17;
	s4 =	sshll.u32 s31, $0x7;
	v28 =	vadd.s32 s29, v1;
	v26 =	vld.idx.msk [tilespmem:v26+s2+$0x0], $0xffff  }
0x59: {  	s0 =	sshll.u32 s0, $0x4;
	s1 =	sadd.s32 s4, s1  }
0x5a: {  	s0 =	sand.u32 $0x70, s0;
	s4 =	sadd.s32 $0x1E80, s1  }
0x5b: {  	s5 =	sor.u32 s0, s4  }
0x5c: {  	s4 =	sor.u32 s16, s4;
	[tilespmem:s5+$0x0] =	vst v27  }
0x5d: {  	v27 =	vld.idx.msk [tilespmem:v28+s2+$0x0], $0xffff;
	[tilespmem:s4+$0x0] =	vst v26  }
0x5e: {  	v26 =	vadd.s32 s29, v2;
	v21 =	vld.idx.msk [tilespmem:v21+s2+$0x0], $0xffff;
	_ =	sdelay $0x1  }
0x5f: {  	s12 =	sadd.s32 $0x2680, s1  }
0x60: {  	s17 =	sor.u32 s0, s12  }
0x61: {  	s4 =	sor.u32 s16, s12;
	[tilespmem:s17+$0x0] =	vst v27  }
0x62: {  	v26 =	vld.idx.msk [tilespmem:v26+s2+$0x0], $0xffff;
	[tilespmem:s4+$0x0] =	vst v21  }
0x63: {  	v21 =	vadd.s32 s29, v3;
	v17 =	vld.idx.msk [tilespmem:v17+s2+$0x0], $0xffff;
	_ =	sdelay $0x1  }
0x64: {  	s5 =	sadd.s32 $0x2E80, s1  }
0x65: {  	[tilespmem:s10+$0x0] =	vst v24;
	s9 =	sor.u32 s0, s5  }
0x66: {  	v24 =	vadd.s32 s28, v4;
	v16 =	vld.idx.msk [tilespmem:v16+s2+$0x0], $0xffff;
	s4 =	sor.u32 s16, s5;
	[tilespmem:s9+$0x0] =	vst v26  }
0x67: {  	v21 =	vld.idx.msk [tilespmem:v21+s2+$0x0], $0xffff;
	[tilespmem:s4+$0x0] =	vst v17  }
0x68: {  	s10 =	sadd.s32 $0x3680, s22;
	v17 =	vadd.s32 s29, v4;
	v23 =	vld.idx.msk [tilespmem:v23+s2+$0x0], $0xffff  }
0x69: {  	s11 =	sor.u32 s23, s10  }
0x6a: {  	[tilespmem:s11+$0x0] =	vst v25;
	s12 =	sadd.s32 $0x3680, s1;
	s4 =	sor.u32 s25, s10  }
0x6b: {  	v24 =	vld.idx.msk [tilespmem:v24+s2+$0x0], $0xffff;
	s17 =	sor.u32 s0, s12;
	[tilespmem:s4+$0x0] =	vst v16  }
0x6c: {  	s5 =	sor.u32 s16, s12;
	v16 =	vadd.s32 s28, v5;
	v14 =	vld.idx.msk [tilespmem:v14+s2+$0x0], $0xffff;
	[tilespmem:s17+$0x0] =	vst v21  }
0x6d: {  	v17 =	vld.idx.msk [tilespmem:v17+s2+$0x0], $0xffff;
	[tilespmem:s5+$0x0] =	vst v23  }
0x6e: {  	s9 =	sadd.s32 $0x3E80, s22;
	v21 =	vadd.s32 s29, v5;
	v18 =	vld.idx.msk [tilespmem:v18+s2+$0x0], $0xffff  }
0x6f: {  	s10 =	sor.u32 s23, s9  }
0x70: {  	s11 =	sadd.s32 $0x3E80, s1;
	[tilespmem:s10+$0x0] =	vst v24;
	s4 =	sor.u32 s25, s9  }
0x71: {  	s12 =	sor.u32 s0, s11;
	v16 =	vld.idx.msk [tilespmem:v16+s2+$0x0], $0xffff;
	[tilespmem:s4+$0x0] =	vst v14  }
0x72: {  	s17 =	sor.u32 s16, s11;
	v14 =	vadd.s32 s28, v6;
	v12 =	vld.idx.msk [tilespmem:v12+s2+$0x0], $0xffff;
	[tilespmem:s12+$0x0] =	vst v17  }
0x73: {  	v17 =	vld.idx.msk [tilespmem:v21+s2+$0x0], $0xffff;
	[tilespmem:s17+$0x0] =	vst v18  }
0x74: {  	[tilespmem:s7+$0x0] =	vst v20;
	s5 =	sadd.s32 $0x4680, s22;
	v18 =	vadd.s32 s29, v6;
	v15 =	vld.idx.msk [tilespmem:v15+s2+$0x0], $0xffff  }
0x75: {  	v10 =	vld.idx.msk [tilespmem:v10+s2+$0x0], $0xffff;
	s9 =	sor.u32 s23, s5  }
0x76: {  	s10 =	sadd.s32 $0x4680, s1;
	s4 =	sor.u32 s25, s5;
	[tilespmem:s9+$0x0] =	vst v16;
	v21 =	vld.idx.msk [tilespmem:v22+s2+$0x0], $0xffff  }
0x77: {  	v20 =	vadd.s32 s26, v7;
	s11 =	sor.u32 s0, s10;
	v14 =	vld.idx.msk [tilespmem:v14+s2+$0x0], $0xffff;
	[tilespmem:s4+$0x0] =	vst v12  }
0x78: {  	s5 =	sor.u32 s16, s10;
	s12 =	sadd.s32 $0x4E80, s20;
	v12 =	vadd.s32 s28, v7;
	v11 =	vld.idx.msk [tilespmem:v11+s2+$0x0], $0xffff;
	[tilespmem:s11+$0x0] =	vst v17  }
0x79: {  	s26 =	sor.u32 s24, s12;
	v16 =	vld.idx.msk [tilespmem:v18+s2+$0x0], $0xffff;
	[tilespmem:s5+$0x0] =	vst v15  }
0x7a: {  	s7 =	sadd.s32 $0x4E80, s22;
	s17 =	sor.u32 s21, s12;
	[tilespmem:s26+$0x0] =	vst v10;
	v15 =	vadd.s32 s29, v7;
	v17 =	vld.idx.msk [tilespmem:v19+s2+$0x0], $0xffff  }
0x7b: {  	s9 =	sor.u32 s23, s7;
	v9 =	vld.idx.msk [tilespmem:v9+s2+$0x0], $0xffff;
	[tilespmem:s17+$0x0] =	vst v21  }
0x7c: {  	s10 =	simm.s32 $0x0;
	s4 =	sor.u32 s25, s7;
	[tilespmem:s9+$0x0] =	vst v14;
	s11 =	sadd.s32 $0x4E80, s1;
	v18 =	vld.idx.msk [tilespmem:v20+s2+$0x0], $0xffff  }
0x7d: {  	s7 =	sand.u32 $0xE, s10;
	v10 =	vld.idx.msk [tilespmem:v12+s2+$0x0], $0xffff;
	s12 =	sor.u32 s0, s11;
	[tilespmem:s4+$0x0] =	vst v11  }
0x7e: {  	s9 =	sor.u32 $0x1, s7;
	s17 =	sadd.s32 $0x5680, s20;
	s5 =	sor.u32 s16, s11;
	v8 =	vld.idx.msk [tilespmem:v8+s2+$0x0], $0xffff;
	[tilespmem:s12+$0x0] =	vst v16  }
0x7f: {  	s20 =	ssub.s32 s6, s9;
	s11 =	sor.u32 s21, s17;
	s21 =	sor.u32 s24, s17;
	v11 =	vld.idx.msk [tilespmem:v15+s2+$0x0], $0xffff;
	[tilespmem:s5+$0x0] =	vst v17  }
0x80: {  	s22 =	sadd.s32 $0x5680, s22;
	s4 =	smul.u32 $0x1F, s20;
	[tilespmem:s21+$0x0] =	vst v9;
	v12 =	vld.idx.msk [tilespmem:v13+s2+$0x0], $0xffff  }
0x81: {  	s25 =	sor.u32 s25, s22;
	s24 =	sor.u32 s23, s22;
	[tilespmem:s11+$0x0] =	vst v18  }
0x82: {  	s7 =	ssub.s32 s6, s7;
	s1 =	sadd.s32 $0x5680, s1;
	s26 =	sadd.s32 $0x1E8, s4;
	[tilespmem:s24+$0x0] =	vst v10  }
0x83: {  	s7 =	smul.u32 $0x1F, s7;
	s0 =	sor.u32 s0, s1;
	v9 =	vadd.s32 s26, v0;
	[tilespmem:s25+$0x0] =	vst v8  }
0x84: {  	s1 =	sor.u32 s16, s1;
	[tilespmem:s0+$0x0] =	vst v11  }
0x85: {  	s0 =	sadd.s32 $0x1E8, s7;
	[tilespmem:s1+$0x0] =	vst v12  }
0x86: {  	s10 =	simm.s32 $0x1E80;
	v8 =	vadd.s32 s0, v0;
	s1 =	rddreg [dreg:$0x3]  }
0x87: {  	[hbm4b:s1+s14] =	stream.strided.scatter [tilespmem:s10], [sflag:$0x1], $0x4000, s15, s14, $0x38;
	[tilespmem:$0x9E80] =	vst v63  }
0x88: {  	s11 =	simm.s32 $0x0;
	v9 =	vld.idx.msk [tilespmem:v9+s2+$0x0], $0xffff  }
0x89: {  	v10 =	vadd.s32 s26, v1;
	s12 =	sand.u32 $0x400, s11  }
0x8a: {  	s16 =	sshll.u32 s9, $0x4;
	s20 =	sadd.s32 $0x0, s12  }
0x8b: {  	s22 =	sand.u32 $0x70, s16;
	s17 =	sadd.s32 $0x5E80, s20;
	v8 =	vld.idx.msk [tilespmem:v8+s2+$0x0], $0xffff  }
0x8c: {  	s23 =	simm.s32 $0x2;
	s4 =	sor.u32 s22, s17;
	v11 =	vadd.s32 s0, v1  }
0x8d: {  	s24 =	sand.u32 $0xE, s23;
	[tilespmem:s4+$0x0] =	vst v9  }
0x8e: {  	s21 =	sand.u32 $0x60, s11;
	s7 =	sor.u32 $0x1, s24;
	v9 =	vld.idx.msk [tilespmem:v10+s2+$0x0], $0xffff  }
0x8f: {  	s25 =	ssub.s32 s6, s7;
	s1 =	sor.u32 s21, s17;
	v10 =	vadd.s32 s26, v2  }
0x90: {  	s9 =	ssub.s32 s6, s24;
	s10 =	smul.u32 $0x1F, s25;
	[tilespmem:s1+$0x0] =	vst v8  }
0x91: {  	s11 =	sadd.s32 $0x6680, s20;
	s1 =	smul.u32 $0x1F, s9;
	v8 =	vld.idx.msk [tilespmem:v11+s2+$0x0], $0xffff  }
0x92: {  	s12 =	sor.u32 s22, s11;
	s28 =	sadd.s32 $0x1E8, s10;
	v11 =	vadd.s32 s0, v2  }
0x93: {  	v12 =	vadd.s32 s28, v0;
	s1 =	sadd.s32 $0x1E8, s1;
	[tilespmem:s12+$0x0] =	vst v9  }
0x94: {  	v9 =	vadd.s32 s1, v0;
	v10 =	vld.idx.msk [tilespmem:v10+s2+$0x0], $0xffff  }
0x95: {  	v13 =	vadd.s32 s26, v3;
	s16 =	sor.u32 s21, s11  }
0x96: {  	[tilespmem:s16+$0x0] =	vst v8  }
0x97: {  	s17 =	sadd.s32 $0x6E80, s20;
	v8 =	vld.idx.msk [tilespmem:v11+s2+$0x0], $0xffff  }
0x98: {  	s24 =	simm.s32 $0x100;
	s23 =	sor.u32 s22, s17;
	v12 =	vld.idx.msk [tilespmem:v12+s2+$0x0], $0xffff;
	v11 =	vadd.s32 s0, v3  }
0x99: {  	s30 =	simm.s32 $0x4;
	v14 =	vadd.s32 s28, v1;
	s9 =	sand.u32 $0x400, s24;
	v9 =	vld.idx.msk [tilespmem:v9+s2+$0x0], $0xffff;
	[tilespmem:s23+$0x0] =	vst v10  }
0x9a: {  	s25 =	simm.s32 $0x20;
	v10 =	vadd.s32 s1, v1;
	s23 =	sadd.s32 $0x0, s9;
	s9 =	sshll.u32 s7, $0x4;
	v13 =	vld.idx.msk [tilespmem:v13+s2+$0x0], $0xffff  }
0x9b: {  	v15 =	vadd.s32 s26, v4;
	s4 =	sor.u32 s21, s17;
	s11 =	sadd.s32 $0x5E80, s23;
	s24 =	sand.u32 $0x70, s9  }
0x9c: {  	s25 =	sand.u32 $0x60, s25;
	s16 =	sand.u32 $0xE, s30;
	[tilespmem:s4+$0x0] =	vst v8;
	s12 =	sor.u32 s24, s11  }
0x9d: {  	s17 =	sadd.s32 $0x7680, s20;
	s9 =	sor.u32 $0x1, s16;
	s7 =	sor.u32 s25, s11;
	v8 =	vld.idx.msk [tilespmem:v11+s2+$0x0], $0xffff;
	[tilespmem:s12+$0x0] =	vst v12  }
0x9e: {  	s11 =	sor.u32 s22, s17;
	v11 =	vadd.s32 s0, v4;
	s12 =	ssub.s32 s6, s9;
	[tilespmem:s7+$0x0] =	vst v9;
	v9 =	vld.idx.msk [tilespmem:v14+s2+$0x0], $0xffff  }
0x9f: {  	s5 =	ssub.s32 s6, s16;
	v12 =	vadd.s32 s28, v2;
	s16 =	smul.u32 $0x1F, s12;
	v10 =	vld.idx.msk [tilespmem:v10+s2+$0x0], $0xffff;
	[tilespmem:s11+$0x0] =	vst v13  }
0xa0: {  	s5 =	smul.u32 $0x1F, s5;
	v13 =	vadd.s32 s1, v2;
	v14 =	vld.idx.msk [tilespmem:v15+s2+$0x0], $0xffff  }
0xa1: {  	s4 =	sor.u32 s21, s17;
	s17 =	sadd.s32 $0x6680, s23;
	s29 =	sadd.s32 $0x1E8, s16;
	v15 =	vadd.s32 s26, v5  }
0xa2: {  	s11 =	sor.u32 s24, s17;
	v16 =	vadd.s32 s29, v0;
	[tilespmem:s4+$0x0] =	vst v8;
	s4 =	sadd.s32 $0x1E8, s5  }
0xa3: {  	s12 =	sor.u32 s25, s17;
	s16 =	sadd.s32 $0x7E80, s20;
	v17 =	vld.idx.msk [tilespmem:v11+s2+$0x0], $0xffff;
	v18 =	vadd.s32 s4, v0;
	[tilespmem:s11+$0x0] =	vst v9  }
0xa4: {  	v21 =	vadd.s32 s0, v5;
	s17 =	sor.u32 s22, s16;
	[tilespmem:s12+$0x0] =	vst v10;
	v10 =	vld.idx.msk [tilespmem:v12+s2+$0x0], $0xffff  }
0xa5: {  	v24 =	vadd.s32 s28, v3;
	v23 =	vld.idx.msk [tilespmem:v13+s2+$0x0], $0xffff;
	[tilespmem:s17+$0x0] =	vst v14  }
0xa6: {  	v22 =	vadd.s32 s26, v6;
	v27 =	vadd.s32 s1, v3;
	s10 =	sadd.s32 $0x6E80, s23;
	s7 =	sshll.u32 s9, $0x4;
	v29 =	vld.idx.msk [tilespmem:v15+s2+$0x0], $0xffff  }
0xa7: {  	s9 =	sadd.s32 $0x8680, s20;
	v28 =	vadd.s32 s29, v1;
	s5 =	sor.u32 s21, s16;
	s16 =	simm.s32 $0x200;
	v11 =	vadd.s32 s1, v6;
	v9 =	vadd.s32 s1, v7;
	v25 =	vld.idx.msk [tilespmem:v16+s2+$0x0], $0xffff  }
0xa8: {  	s31 =	sand.u32 $0x70, s7;
	v8 =	vadd.s32 s0, v7;
	v20 =	vadd.s32 s4, v1;
	v12 =	vadd.s32 s0, v6;
	s12 =	sor.u32 s24, s10;
	s17 =	sand.u32 $0x400, s16;
	[tilespmem:s5+$0x0] =	vst v17;
	v26 =	vld.idx.msk [tilespmem:v18+s2+$0x0], $0xffff  }
0xa9: {  	s11 =	sor.u32 s25, s10;
	v19 =	vadd.s32 s4, v2;
	s0 =	simm.s32 $0x40;
	v13 =	vadd.s32 s1, v5;
	v14 =	vadd.s32 s4, v5;
	s17 =	sadd.s32 $0x0, s17;
	[tilespmem:s12+$0x0] =	vst v10;
	v21 =	vld.idx.msk [tilespmem:v21+s2+$0x0], $0xffff  }
0xaa: {  	v16 =	vadd.s32 s4, v6;
	v15 =	vadd.s32 s1, v4;
	s1 =	sand.u32 $0x60, s0;
	v17 =	vadd.s32 s4, v3;
	s12 =	sor.u32 s22, s9;
	[tilespmem:s11+$0x0] =	vst v23;
	v23 =	vld.idx.msk [tilespmem:v24+s2+$0x0], $0xffff;
	s11 =	sadd.s32 $0x5E80, s17  }
0xab: {  	v18 =	vadd.s32 s4, v4;
	v10 =	vadd.s32 s4, v7;
	s9 =	sor.u32 s21, s9;
	v24 =	vld.idx.msk [tilespmem:v27+s2+$0x0], $0xffff;
	s5 =	sor.u32 s1, s11;
	s7 =	sor.u32 s31, s11;
	v27 =	vadd.s32 s28, v4;
	[tilespmem:s12+$0x0] =	vst v29  }
.LBB2_4:
0xac: {  	s30 =	sadd.s32 $0x2, s30;
	[tilespmem:s7+$0x0] =	vst v25;
	s7 =	smov.u32 s21;
	s21 =	smov.u32 s25  }
0xad: {  	v22 =	vld.idx.msk [tilespmem:v22+s2+$0x0], $0xffff;
	s25 =	smov.u32 s1;
	s1 =	smov.u32 s23;
	s23 =	smov.u32 s17  }
0xae: {  	s4 =	sand.u32 $0xE, s30;
	p0 =	slt.u32 s30, $0x7E;
	[tilespmem:s5+$0x0] =	vst v26;
	v25 =	vld.idx.msk [tilespmem:v28+s2+$0x0], $0xffff;
	s10 =	sadd.s32 $0x7680, s1  }
0xaf: {  	s11 =	ssub.s32 s6, s4;
	s5 =	sor.u32 $0x1, s4;
	v26 =	vld.idx.msk [tilespmem:v20+s2+$0x0], $0xffff;
	s4 =	sor.u32 s24, s10;
	[tilespmem:s9+$0x0] =	vst v21;
	v21 =	vadd.s32 s26, v7  }
0xb0: {  	v28 =	vadd.s32 s29, v2;
	s10 =	sor.u32 s21, s10;
	s11 =	smul.u32 $0x1F, s11;
	s12 =	ssub.s32 s6, s5;
	[tilespmem:s4+$0x0] =	vst v23;
	v23 =	vld.idx.msk [tilespmem:v12+s2+$0x0], $0xffff;
	v12 =	vmov v11;
	v11 =	vmov v16  }
0xb1: {  	s9 =	sshrl.u32 s30, $0x4;
	s4 =	smul.u32 $0x1F, s12;
	[tilespmem:s10+$0x0] =	vst v24;
	v24 =	vld.idx.msk [tilespmem:v27+s2+$0x0], $0xffff;
	s10 =	sadd.s32 $0x8E80, s20  }
0xb2: {  	s17 =	sadd.s32 $0x6680, s23;
	s12 =	sadd.s32 $0x1E8, s9;
	v27 =	vld.idx.msk [tilespmem:v15+s2+$0x0], $0xffff;
	s26 =	sor.u32 s22, s10;
	v15 =	vmov v18  }
0xb3: {  	v29 =	vadd.s32 s28, v5;
	s11 =	sadd.s32 s11, s12;
	s4 =	sadd.s32 s4, s12;
	s12 =	sor.u32 s31, s17;
	[tilespmem:s26+$0x0] =	vst v22  }
0xb4: {  	s10 =	sor.u32 s7, s10;
	v22 =	vadd.s32 s11, v0;
	v20 =	vadd.s32 s11, v1;
	s17 =	sor.u32 s25, s17;
	s26 =	smov.u32 s28;
	v30 =	vadd.s32 s4, v0;
	[tilespmem:s12+$0x0] =	vst v25;
	v21 =	vld.idx.msk [tilespmem:v21+s2+$0x0], $0xffff  }
0xb5: {  	v31 =	vadd.s32 s11, v3;
	v18 =	vadd.s32 s11, v4;
	s28 =	smov.u32 s29;
	v25 =	vadd.s32 s11, v2;
	s12 =	sadd.s32 $0x7E80, s1;
	s29 =	smov.u32 s4;
	[tilespmem:s17+$0x0] =	vst v26;
	v32 =	vld.idx.msk [tilespmem:v28+s2+$0x0], $0xffff  }
0xb6: {  	v33 =	vadd.s32 s11, v5;
	v16 =	vadd.s32 s11, v6;
	v26 =	vadd.s32 s11, v7;
	s4 =	sor.u32 s21, s12;
	s11 =	sor.u32 s24, s12;
	v34 =	vld.idx.msk [tilespmem:v19+s2+$0x0], $0xffff;
	[tilespmem:s10+$0x0] =	vst v23;
	v19 =	vmovc v25;
	s10 =	smov.u32 s22  }
0xb7: {  	s0 =	sadd.s32 $0x20, s0;
	v23 =	vadd.s32 s28, v3;
	s22 =	smov.u32 s24;
	s24 =	smov.u32 s31;
	[tilespmem:s11+$0x0] =	vst v24;
	v35 =	vld.idx.msk [tilespmem:v8+s2+$0x0], $0xffff;
	v8 =	vmovc v9;
	v9 =	vmov v10;
	v10 =	vmov v26  }
0xb8: {  	s16 =	sadd.s32 $0x100, s16;
	[tilespmem:s4+$0x0] =	vst v27;
	v29 =	vld.idx.msk [tilespmem:v29+s2+$0x0], $0xffff;
	s4 =	sadd.s32 $0x9680, s20;
	s20 =	smov.u32 s1  }
0xb9: {  	s1 =	sadd.s32 $0x6E80, s23;
	v25 =	vld.idx.msk [tilespmem:v30+s2+$0x0], $0xffff;
	s7 =	sor.u32 s7, s4;
	s4 =	sor.u32 s10, s4  }
.Ltmp1:
0xba: {  	s10 =	sor.u32 s25, s1;
	s11 =	sor.u32 s24, s1;
	v26 =	vld.idx.msk [tilespmem:v22+s2+$0x0], $0xffff;
	v22 =	vadd.s32 s26, v6;
	[tilespmem:s4+$0x0] =	vst v21;
	(pc) =	sbr.rel @p0 .LBB2_4-.Ltmp1, $4  }
0xbb: {  	s9 =	sshll.u32 s9, $0x7;
	v28 =	vadd.s32 s29, v1;
	s1 =	sand.u32 $0x60, s0;
	s4 =	sand.u32 $0x400, s16;
	[tilespmem:s11+$0x0] =	vst v32;
	v21 =	vld.idx.msk [tilespmem:v13+s2+$0x0], $0xffff;
	v13 =	vmov v14;
	v14 =	vmov v33  }
0xbc: {  	s17 =	sadd.s32 s9, s4;
	s4 =	sshll.u32 s5, $0x4;
	s9 =	sadd.s32 $0x8680, s20;
	[tilespmem:s10+$0x0] =	vst v34;
	v23 =	vld.idx.msk [tilespmem:v23+s2+$0x0], $0xffff  }
0xbd: {  	s10 =	sadd.s32 $0x5E80, s17;
	s31 =	sand.u32 $0x70, s4;
	s4 =	sor.u32 s22, s9;
	v24 =	vld.idx.msk [tilespmem:v17+s2+$0x0], $0xffff;
	[tilespmem:s7+$0x0] =	vst v35;
	v17 =	vmov v31  }
0xbe: {  	v27 =	vadd.s32 s28, v4;
	s9 =	sor.u32 s21, s9;
	s5 =	sor.u32 s1, s10;
	s7 =	sor.u32 s31, s10;
	[tilespmem:s4+$0x0] =	vst v29  }
0xbf: {  	_ =	sdelay $0x2  }
0xc0: {  	[tilespmem:s7+$0x0] =	vst v25  }
0xc1: {  	[tilespmem:s5+$0x0] =	vst v26;
	v25 =	vld.idx.msk [tilespmem:v28+s2+$0x0], $0xffff  }
0xc2: {  	v26 =	vadd.s32 s29, v2;
	v20 =	vld.idx.msk [tilespmem:v20+s2+$0x0], $0xffff;
	_ =	sdelay $0x1  }
0xc3: {  	s0 =	sadd.s32 $0x6680, s17  }
0xc4: {  	s4 =	sor.u32 s31, s0  }
0xc5: {  	s0 =	sor.u32 s1, s0;
	[tilespmem:s4+$0x0] =	vst v25  }
0xc6: {  	[tilespmem:s0+$0x0] =	vst v20;
	v20 =	vld.idx.msk [tilespmem:v26+s2+$0x0], $0xffff  }
0xc7: {  	v25 =	vadd.s32 s29, v3;
	v19 =	vld.idx.msk [tilespmem:v19+s2+$0x0], $0xffff;
	_ =	sdelay $0x1  }
0xc8: {  	s10 =	sadd.s32 $0x6E80, s17  }
0xc9: {  	s11 =	sor.u32 s31, s10  }
0xca: {  	s0 =	sor.u32 s1, s10;
	[tilespmem:s11+$0x0] =	vst v20  }
0xcb: {  	[tilespmem:s0+$0x0] =	vst v19;
	v19 =	vld.idx.msk [tilespmem:v25+s2+$0x0], $0xffff  }
0xcc: {  	s12 =	sadd.s32 $0x7680, s23;
	v20 =	vadd.s32 s29, v4;
	v17 =	vld.idx.msk [tilespmem:v17+s2+$0x0], $0xffff  }
0xcd: {  	s16 =	sor.u32 s24, s12  }
0xce: {  	s5 =	sadd.s32 $0x7680, s17;
	[tilespmem:s16+$0x0] =	vst v23;
	s0 =	sor.u32 s25, s12  }
0xcf: {  	s7 =	sor.u32 s31, s5;
	v23 =	vld.idx.msk [tilespmem:v27+s2+$0x0], $0xffff;
	[tilespmem:s0+$0x0] =	vst v24  }
0xd0: {  	s4 =	sor.u32 s1, s5;
	v24 =	vadd.s32 s28, v5;
	v15 =	vld.idx.msk [tilespmem:v15+s2+$0x0], $0xffff;
	[tilespmem:s7+$0x0] =	vst v19  }
0xd1: {  	[tilespmem:s4+$0x0] =	vst v17;
	v17 =	vld.idx.msk [tilespmem:v20+s2+$0x0], $0xffff  }
0xd2: {  	s10 =	sadd.s32 $0x7E80, s23;
	v19 =	vadd.s32 s29, v5;
	v18 =	vld.idx.msk [tilespmem:v18+s2+$0x0], $0xffff  }
0xd3: {  	s11 =	sor.u32 s24, s10  }
0xd4: {  	s12 =	sadd.s32 $0x7E80, s17;
	s0 =	sor.u32 s25, s10;
	[tilespmem:s11+$0x0] =	vst v23  }
0xd5: {  	s16 =	sor.u32 s31, s12;
	[tilespmem:s0+$0x0] =	vst v15;
	v15 =	vld.idx.msk [tilespmem:v24+s2+$0x0], $0xffff  }
0xd6: {  	s4 =	sor.u32 s1, s12;
	v20 =	vadd.s32 s28, v6;
	v13 =	vld.idx.msk [tilespmem:v13+s2+$0x0], $0xffff;
	[tilespmem:s16+$0x0] =	vst v17  }
0xd7: {  	[tilespmem:s4+$0x0] =	vst v18;
	v17 =	vld.idx.msk [tilespmem:v19+s2+$0x0], $0xffff  }
0xd8: {  	[tilespmem:s9+$0x0] =	vst v21;
	s4 =	sadd.s32 $0x8680, s23;
	v18 =	vadd.s32 s29, v6;
	v14 =	vld.idx.msk [tilespmem:v14+s2+$0x0], $0xffff  }
0xd9: {  	v12 =	vld.idx.msk [tilespmem:v12+s2+$0x0], $0xffff;
	s5 =	sor.u32 s24, s4  }
0xda: {  	s7 =	sadd.s32 $0x8680, s17;
	v19 =	vld.idx.msk [tilespmem:v22+s2+$0x0], $0xffff;
	s0 =	sor.u32 s25, s4;
	[tilespmem:s5+$0x0] =	vst v15  }
0xdb: {  	v21 =	vadd.s32 s26, v7;
	s9 =	sor.u32 s31, s7;
	[tilespmem:s0+$0x0] =	vst v13;
	v15 =	vld.idx.msk [tilespmem:v20+s2+$0x0], $0xffff  }
0xdc: {  	s10 =	sadd.s32 $0x8E80, s20;
	s4 =	sor.u32 s1, s7;
	v13 =	vadd.s32 s28, v7;
	v11 =	vld.idx.msk [tilespmem:v11+s2+$0x0], $0xffff;
	[tilespmem:s9+$0x0] =	vst v17  }
0xdd: {  	s12 =	sor.u32 s21, s10;
	[tilespmem:s4+$0x0] =	vst v14;
	v17 =	vld.idx.msk [tilespmem:v18+s2+$0x0], $0xffff  }
0xde: {  	s11 =	sor.u32 s22, s10;
	[tilespmem:s12+$0x0] =	vst v12;
	s16 =	sadd.s32 $0x8E80, s23;
	v14 =	vadd.s32 s29, v7;
	v16 =	vld.idx.msk [tilespmem:v16+s2+$0x0], $0xffff  }
0xdf: {  	v8 =	vld.idx.msk [tilespmem:v8+s2+$0x0], $0xffff;
	s26 =	sor.u32 s24, s16;
	[tilespmem:s11+$0x0] =	vst v19  }
0xe0: {  	s7 =	sadd.s32 $0x8E80, s17;
	s5 =	sor.u32 s25, s16;
	v18 =	vld.idx.msk [tilespmem:v21+s2+$0x0], $0xffff;
	[tilespmem:s26+$0x0] =	vst v15  }
0xe1: {  	s9 =	sor.u32 s31, s7;
	[tilespmem:s5+$0x0] =	vst v11;
	v12 =	vld.idx.msk [tilespmem:v13+s2+$0x0], $0xffff  }
0xe2: {  	s10 =	sadd.s32 $0x9680, s20;
	s11 =	sor.u32 s1, s7;
	v9 =	vld.idx.msk [tilespmem:v9+s2+$0x0], $0xffff;
	[tilespmem:s9+$0x0] =	vst v17  }
0xe3: {  	s12 =	simm.s32 $0x0;
	s21 =	sor.u32 s21, s10;
	[tilespmem:s11+$0x0] =	vst v16;
	v11 =	vld.idx.msk [tilespmem:v14+s2+$0x0], $0xffff  }
0xe4: {  	s20 =	sand.u32 $0xE, s12;
	[tilespmem:s21+$0x0] =	vst v8;
	s16 =	sor.u32 s22, s10;
	s22 =	sadd.s32 $0x9680, s23;
	v10 =	vld.idx.msk [tilespmem:v10+s2+$0x0], $0xffff  }
0xe5: {  	s23 =	sor.u32 $0x1, s20;
	s24 =	sor.u32 s24, s22;
	[tilespmem:s16+$0x0] =	vst v18  }
0xe6: {  	s10 =	sadd.s32 $0x9680, s17;
	s26 =	ssub.s32 s8, s23;
	s5 =	sor.u32 s25, s22;
	[tilespmem:s24+$0x0] =	vst v12  }
0xe7: {  	s9 =	smul.u32 $0x1F, s26;
	s11 =	sor.u32 s31, s10;
	[tilespmem:s5+$0x0] =	vst v9  }
0xe8: {  	s12 =	sor.u32 s1, s10;
	[tilespmem:s11+$0x0] =	vst v11  }
0xe9: {  	s0 =	ssub.s32 s8, s20;
	s26 =	sadd.s32 $0x1E0, s9;
	[tilespmem:s12+$0x0] =	vst v10  }
0xea: {  	s0 =	smul.u32 $0x1F, s0;
	s16 =	simm.s32 $0x5E80;
	v8 =	vadd.s32 s26, v0;
	s1 =	rddreg [dreg:$0x5]  }
0xeb: {  	[hbm4b:s1+s14] =	stream.strided.scatter [tilespmem:s16], [sflag:$0x2], $0x4000, s15, s14, $0x38;
	[tilespmem:$0x9E80] =	vst v63  }
0xec: {  	s0 =	sadd.s32 $0x1E0, s0;
	_ =	swait.ge [sflag:s13], $0x4000  }
0xed: {  	v9 =	vadd.s32 s0, v0;
	[sflag:s13] =	ssyncset.done $0x0  }
0xee: {  	[sflag:s13] =	ssyncadd.s32 $0xFFFFC000  }
0xef: {  	s17 =	simm.s32 $0x0;
	v8 =	vld.idx.msk [tilespmem:v8+s2+$0x0], $0xffff  }
0xf0: {  	s21 =	sand.u32 $0x400, s17;
	v10 =	vadd.s32 s26, v1  }
0xf1: {  	s20 =	sadd.s32 $0x0, s21;
	s22 =	sshll.u32 s23, $0x4  }
0xf2: {  	s23 =	sadd.s32 $0x1E80, s20;
	s22 =	sand.u32 $0x70, s22;
	v9 =	vld.idx.msk [tilespmem:v9+s2+$0x0], $0xffff  }
0xf3: {  	s4 =	sor.u32 s22, s23;
	s24 =	simm.s32 $0x2;
	v11 =	vadd.s32 s0, v1  }
0xf4: {  	s25 =	sand.u32 $0xE, s24;
	[tilespmem:s4+$0x0] =	vst v8  }
0xf5: {  	s21 =	sand.u32 $0x60, s17;
	s7 =	sor.u32 $0x1, s25;
	v8 =	vld.idx.msk [tilespmem:v10+s2+$0x0], $0xffff  }
0xf6: {  	s9 =	ssub.s32 s8, s7;
	s1 =	sor.u32 s21, s23;
	v10 =	vadd.s32 s26, v2  }
0xf7: {  	s10 =	ssub.s32 s8, s25;
	s11 =	smul.u32 $0x1F, s9;
	[tilespmem:s1+$0x0] =	vst v9  }
0xf8: {  	s12 =	sadd.s32 $0x2680, s20;
	s1 =	smul.u32 $0x1F, s10;
	v9 =	vld.idx.msk [tilespmem:v11+s2+$0x0], $0xffff  }
0xf9: {  	s28 =	sadd.s32 $0x1E0, s11;
	s16 =	sor.u32 s22, s12;
	v11 =	vadd.s32 s0, v2  }
0xfa: {  	v12 =	vadd.s32 s28, v0;
	s1 =	sadd.s32 $0x1E0, s1;
	[tilespmem:s16+$0x0] =	vst v8  }
0xfb: {  	v8 =	vadd.s32 s1, v0;
	v10 =	vld.idx.msk [tilespmem:v10+s2+$0x0], $0xffff  }
0xfc: {  	v13 =	vadd.s32 s26, v3;
	s17 =	sor.u32 s21, s12  }
0xfd: {  	[tilespmem:s17+$0x0] =	vst v9  }
0xfe: {  	s23 =	sadd.s32 $0x2E80, s20;
	v9 =	vld.idx.msk [tilespmem:v11+s2+$0x0], $0xffff  }
0xff: {  	s25 =	simm.s32 $0x100;
	s24 =	sor.u32 s22, s23;
	v12 =	vld.idx.msk [tilespmem:v12+s2+$0x0], $0xffff;
	v11 =	vadd.s32 s0, v3  }
0x100: {  	s30 =	simm.s32 $0x4;
	s9 =	sand.u32 $0x400, s25;
	v14 =	vadd.s32 s28, v1;
	v8 =	vld.idx.msk [tilespmem:v8+s2+$0x0], $0xffff;
	[tilespmem:s24+$0x0] =	vst v10  }
0x101: {  	s4 =	sor.u32 s21, s23;
	s23 =	sadd.s32 $0x0, s9;
	s9 =	sshll.u32 s7, $0x4;
	v10 =	vadd.s32 s1, v1;
	v13 =	vld.idx.msk [tilespmem:v13+s2+$0x0], $0xffff  }
0x102: {  	v15 =	vadd.s32 s26, v4;
	s10 =	simm.s32 $0x20;
	s11 =	sadd.s32 $0x1E80, s23;
	s24 =	sand.u32 $0x70, s9  }
0x103: {  	s25 =	sand.u32 $0x60, s10;
	s16 =	sand.u32 $0xE, s30;
	[tilespmem:s4+$0x0] =	vst v9;
	s12 =	sor.u32 s24, s11  }
0x104: {  	s7 =	sor.u32 s25, s11;
	s17 =	sadd.s32 $0x3680, s20;
	s9 =	sor.u32 $0x1, s16;
	v9 =	vld.idx.msk [tilespmem:v11+s2+$0x0], $0xffff;
	[tilespmem:s12+$0x0] =	vst v12  }
0x105: {  	v11 =	vadd.s32 s0, v4;
	s11 =	sor.u32 s22, s17;
	s12 =	ssub.s32 s8, s9;
	[tilespmem:s7+$0x0] =	vst v8;
	v8 =	vld.idx.msk [tilespmem:v14+s2+$0x0], $0xffff  }
0x106: {  	s5 =	ssub.s32 s8, s16;
	v12 =	vadd.s32 s28, v2;
	s16 =	smul.u32 $0x1F, s12;
	v10 =	vld.idx.msk [tilespmem:v10+s2+$0x0], $0xffff;
	[tilespmem:s11+$0x0] =	vst v13  }
0x107: {  	s5 =	smul.u32 $0x1F, s5;
	v13 =	vadd.s32 s1, v2;
	v14 =	vld.idx.msk [tilespmem:v15+s2+$0x0], $0xffff  }
0x108: {  	s4 =	sor.u32 s21, s17;
	s17 =	sadd.s32 $0x2680, s23;
	s29 =	sadd.s32 $0x1E0, s16;
	v15 =	vadd.s32 s26, v5  }
0x109: {  	[tilespmem:s4+$0x0] =	vst v9;
	s4 =	sadd.s32 $0x1E0, s5;
	s11 =	sor.u32 s24, s17;
	v9 =	vadd.s32 s29, v0  }
0x10a: {  	s12 =	sor.u32 s25, s17;
	s16 =	sadd.s32 $0x3E80, s20;
	v16 =	vld.idx.msk [tilespmem:v11+s2+$0x0], $0xffff;
	v17 =	vadd.s32 s4, v0;
	[tilespmem:s11+$0x0] =	vst v8  }
0x10b: {  	v21 =	vadd.s32 s0, v5;
	s17 =	sor.u32 s22, s16;
	[tilespmem:s12+$0x0] =	vst v10;
	v10 =	vld.idx.msk [tilespmem:v12+s2+$0x0], $0xffff  }
0x10c: {  	v24 =	vadd.s32 s28, v3;
	v23 =	vld.idx.msk [tilespmem:v13+s2+$0x0], $0xffff;
	[tilespmem:s17+$0x0] =	vst v14  }
0x10d: {  	v22 =	vadd.s32 s26, v6;
	s10 =	sadd.s32 $0x2E80, s23;
	v27 =	vadd.s32 s1, v3;
	s7 =	sshll.u32 s9, $0x4;
	v29 =	vld.idx.msk [tilespmem:v15+s2+$0x0], $0xffff  }
0x10e: {  	s9 =	sadd.s32 $0x4680, s20;
	s5 =	sor.u32 s21, s16;
	s16 =	simm.s32 $0x200;
	v28 =	vadd.s32 s29, v1;
	v11 =	vadd.s32 s1, v6;
	v20 =	vadd.s32 s4, v1;
	v25 =	vld.idx.msk [tilespmem:v9+s2+$0x0], $0xffff  }
0x10f: {  	s31 =	sand.u32 $0x70, s7;
	v19 =	vadd.s32 s4, v2;
	v18 =	vadd.s32 s4, v4;
	v8 =	vadd.s32 s0, v7;
	s12 =	sor.u32 s24, s10;
	[tilespmem:s5+$0x0] =	vst v16;
	v26 =	vld.idx.msk [tilespmem:v17+s2+$0x0], $0xffff;
	s17 =	sand.u32 $0x400, s16  }
0x110: {  	s11 =	sor.u32 s25, s10;
	v12 =	vadd.s32 s0, v6;
	s0 =	simm.s32 $0x40;
	v13 =	vadd.s32 s1, v5;
	v9 =	vadd.s32 s1, v7;
	v21 =	vld.idx.msk [tilespmem:v21+s2+$0x0], $0xffff;
	s17 =	sadd.s32 $0x0, s17;
	[tilespmem:s12+$0x0] =	vst v10  }
0x111: {  	v17 =	vadd.s32 s4, v3;
	v14 =	vadd.s32 s4, v5;
	v15 =	vadd.s32 s1, v4;
	s1 =	sand.u32 $0x60, s0;
	s12 =	sor.u32 s22, s9;
	[tilespmem:s11+$0x0] =	vst v23;
	v23 =	vld.idx.msk [tilespmem:v24+s2+$0x0], $0xffff;
	s11 =	sadd.s32 $0x1E80, s17  }
0x112: {  	v16 =	vadd.s32 s4, v6;
	v10 =	vadd.s32 s4, v7;
	s9 =	sor.u32 s21, s9;
	v24 =	vld.idx.msk [tilespmem:v27+s2+$0x0], $0xffff;
	s5 =	sor.u32 s1, s11;
	s7 =	sor.u32 s31, s11;
	v27 =	vadd.s32 s28, v4;
	[tilespmem:s12+$0x0] =	vst v29  }
.LBB2_6:
0x113: {  	s30 =	sadd.s32 $0x2, s30;
	[tilespmem:s7+$0x0] =	vst v25;
	s7 =	smov.u32 s21;
	s21 =	smov.u32 s25  }
0x114: {  	v22 =	vld.idx.msk [tilespmem:v22+s2+$0x0], $0xffff;
	s25 =	smov.u32 s1;
	s1 =	smov.u32 s23;
	s23 =	smov.u32 s17  }
0x115: {  	s4 =	sand.u32 $0xE, s30;
	p0 =	slt.u32 s30, $0x7E;
	[tilespmem:s5+$0x0] =	vst v26;
	v25 =	vld.idx.msk [tilespmem:v28+s2+$0x0], $0xffff;
	s10 =	sadd.s32 $0x3680, s1  }
0x116: {  	s11 =	ssub.s32 s8, s4;
	s5 =	sor.u32 $0x1, s4;
	v26 =	vld.idx.msk [tilespmem:v20+s2+$0x0], $0xffff;
	s4 =	sor.u32 s24, s10;
	[tilespmem:s9+$0x0] =	vst v21;
	v21 =	vadd.s32 s26, v7  }
0x117: {  	v28 =	vadd.s32 s29, v2;
	s10 =	sor.u32 s21, s10;
	s11 =	smul.u32 $0x1F, s11;
	s12 =	ssub.s32 s8, s5;
	[tilespmem:s4+$0x0] =	vst v23;
	v23 =	vld.idx.msk [tilespmem:v12+s2+$0x0], $0xffff;
	v12 =	vmov v11;
	v11 =	vmov v16  }
0x118: {  	s9 =	sshrl.u32 s30, $0x4;
	s4 =	smul.u32 $0x1F, s12;
	[tilespmem:s10+$0x0] =	vst v24;
	v24 =	vld.idx.msk [tilespmem:v27+s2+$0x0], $0xffff;
	s10 =	sadd.s32 $0x4E80, s20  }
0x119: {  	s17 =	sadd.s32 $0x2680, s23;
	s12 =	sadd.s32 $0x1E0, s9;
	v27 =	vld.idx.msk [tilespmem:v15+s2+$0x0], $0xffff;
	s26 =	sor.u32 s22, s10;
	v15 =	vmov v18  }
0x11a: {  	v29 =	vadd.s32 s28, v5;
	s11 =	sadd.s32 s11, s12;
	s4 =	sadd.s32 s4, s12;
	s12 =	sor.u32 s31, s17;
	[tilespmem:s26+$0x0] =	vst v22  }
0x11b: {  	s10 =	sor.u32 s7, s10;
	v22 =	vadd.s32 s11, v0;
	v20 =	vadd.s32 s11, v1;
	s17 =	sor.u32 s25, s17;
	s26 =	smov.u32 s28;
	v30 =	vadd.s32 s4, v0;
	[tilespmem:s12+$0x0] =	vst v25;
	v21 =	vld.idx.msk [tilespmem:v21+s2+$0x0], $0xffff  }
0x11c: {  	v31 =	vadd.s32 s11, v3;
	v18 =	vadd.s32 s11, v4;
	s28 =	smov.u32 s29;
	v25 =	vadd.s32 s11, v2;
	s12 =	sadd.s32 $0x3E80, s1;
	s29 =	smov.u32 s4;
	[tilespmem:s17+$0x0] =	vst v26;
	v32 =	vld.idx.msk [tilespmem:v28+s2+$0x0], $0xffff  }
0x11d: {  	v33 =	vadd.s32 s11, v5;
	v16 =	vadd.s32 s11, v6;
	v26 =	vadd.s32 s11, v7;
	s4 =	sor.u32 s21, s12;
	s11 =	sor.u32 s24, s12;
	v34 =	vld.idx.msk [tilespmem:v19+s2+$0x0], $0xffff;
	[tilespmem:s10+$0x0] =	vst v23;
	v19 =	vmovc v25;
	s10 =	smov.u32 s22  }
0x11e: {  	s0 =	sadd.s32 $0x20, s0;
	v23 =	vadd.s32 s28, v3;
	s22 =	smov.u32 s24;
	s24 =	smov.u32 s31;
	[tilespmem:s11+$0x0] =	vst v24;
	v35 =	vld.idx.msk [tilespmem:v8+s2+$0x0], $0xffff;
	v8 =	vmovc v9;
	v9 =	vmov v10;
	v10 =	vmov v26  }
0x11f: {  	s16 =	sadd.s32 $0x100, s16;
	[tilespmem:s4+$0x0] =	vst v27;
	v29 =	vld.idx.msk [tilespmem:v29+s2+$0x0], $0xffff;
	s4 =	sadd.s32 $0x5680, s20;
	s20 =	smov.u32 s1  }
0x120: {  	s1 =	sadd.s32 $0x2E80, s23;
	v25 =	vld.idx.msk [tilespmem:v30+s2+$0x0], $0xffff;
	s7 =	sor.u32 s7, s4;
	s4 =	sor.u32 s10, s4  }
.Ltmp2:
0x121: {  	s10 =	sor.u32 s25, s1;
	s11 =	sor.u32 s24, s1;
	v26 =	vld.idx.msk [tilespmem:v22+s2+$0x0], $0xffff;
	v22 =	vadd.s32 s26, v6;
	[tilespmem:s4+$0x0] =	vst v21;
	(pc) =	sbr.rel @p0 .LBB2_6-.Ltmp2, $4  }
0x122: {  	s9 =	sshll.u32 s9, $0x7;
	v28 =	vadd.s32 s29, v1;
	s1 =	sand.u32 $0x60, s0;
	s4 =	sand.u32 $0x400, s16;
	[tilespmem:s11+$0x0] =	vst v32;
	v21 =	vld.idx.msk [tilespmem:v13+s2+$0x0], $0xffff;
	v13 =	vmov v14;
	v14 =	vmov v33  }
0x123: {  	s17 =	sadd.s32 s9, s4;
	s4 =	sshll.u32 s5, $0x4;
	s9 =	sadd.s32 $0x4680, s20;
	[tilespmem:s10+$0x0] =	vst v34;
	v23 =	vld.idx.msk [tilespmem:v23+s2+$0x0], $0xffff  }
0x124: {  	s10 =	sadd.s32 $0x1E80, s17;
	s31 =	sand.u32 $0x70, s4;
	s4 =	sor.u32 s22, s9;
	v24 =	vld.idx.msk [tilespmem:v17+s2+$0x0], $0xffff;
	[tilespmem:s7+$0x0] =	vst v35;
	v17 =	vmov v31  }
0x125: {  	v27 =	vadd.s32 s28, v4;
	s9 =	sor.u32 s21, s9;
	s5 =	sor.u32 s1, s10;
	s7 =	sor.u32 s31, s10;
	[tilespmem:s4+$0x0] =	vst v29  }
0x126: {  	_ =	sdelay $0x2  }
0x127: {  	[tilespmem:s7+$0x0] =	vst v25  }
0x128: {  	[tilespmem:s5+$0x0] =	vst v26;
	v25 =	vld.idx.msk [tilespmem:v28+s2+$0x0], $0xffff  }
0x129: {  	v26 =	vadd.s32 s29, v2;
	v20 =	vld.idx.msk [tilespmem:v20+s2+$0x0], $0xffff;
	_ =	sdelay $0x1  }
0x12a: {  	s0 =	sadd.s32 $0x2680, s17  }
0x12b: {  	s4 =	sor.u32 s31, s0  }
0x12c: {  	s0 =	sor.u32 s1, s0;
	[tilespmem:s4+$0x0] =	vst v25  }
0x12d: {  	[tilespmem:s0+$0x0] =	vst v20;
	v20 =	vld.idx.msk [tilespmem:v26+s2+$0x0], $0xffff  }
0x12e: {  	v25 =	vadd.s32 s29, v3;
	v19 =	vld.idx.msk [tilespmem:v19+s2+$0x0], $0xffff;
	_ =	sdelay $0x1  }
0x12f: {  	s10 =	sadd.s32 $0x2E80, s17  }
0x130: {  	s11 =	sor.u32 s31, s10  }
0x131: {  	s0 =	sor.u32 s1, s10;
	[tilespmem:s11+$0x0] =	vst v20  }
0x132: {  	[tilespmem:s0+$0x0] =	vst v19;
	v19 =	vld.idx.msk [tilespmem:v25+s2+$0x0], $0xffff  }
0x133: {  	s12 =	sadd.s32 $0x3680, s23;
	v20 =	vadd.s32 s29, v4;
	v17 =	vld.idx.msk [tilespmem:v17+s2+$0x0], $0xffff  }
0x134: {  	s16 =	sor.u32 s24, s12  }
0x135: {  	s5 =	sadd.s32 $0x3680, s17;
	[tilespmem:s16+$0x0] =	vst v23;
	s0 =	sor.u32 s25, s12  }
0x136: {  	s7 =	sor.u32 s31, s5;
	v23 =	vld.idx.msk [tilespmem:v27+s2+$0x0], $0xffff;
	[tilespmem:s0+$0x0] =	vst v24  }
0x137: {  	s4 =	sor.u32 s1, s5;
	v24 =	vadd.s32 s28, v5;
	v15 =	vld.idx.msk [tilespmem:v15+s2+$0x0], $0xffff;
	[tilespmem:s7+$0x0] =	vst v19  }
0x138: {  	[tilespmem:s4+$0x0] =	vst v17;
	v17 =	vld.idx.msk [tilespmem:v20+s2+$0x0], $0xffff  }
0x139: {  	s10 =	sadd.s32 $0x3E80, s23;
	v19 =	vadd.s32 s29, v5;
	v18 =	vld.idx.msk [tilespmem:v18+s2+$0x0], $0xffff  }
0x13a: {  	s11 =	sor.u32 s24, s10  }
0x13b: {  	s12 =	sadd.s32 $0x3E80, s17;
	s0 =	sor.u32 s25, s10;
	[tilespmem:s11+$0x0] =	vst v23  }
0x13c: {  	s16 =	sor.u32 s31, s12;
	[tilespmem:s0+$0x0] =	vst v15;
	v15 =	vld.idx.msk [tilespmem:v24+s2+$0x0], $0xffff  }
0x13d: {  	s4 =	sor.u32 s1, s12;
	v20 =	vadd.s32 s28, v6;
	v13 =	vld.idx.msk [tilespmem:v13+s2+$0x0], $0xffff;
	[tilespmem:s16+$0x0] =	vst v17  }
0x13e: {  	[tilespmem:s4+$0x0] =	vst v18;
	v17 =	vld.idx.msk [tilespmem:v19+s2+$0x0], $0xffff  }
0x13f: {  	[tilespmem:s9+$0x0] =	vst v21;
	s4 =	sadd.s32 $0x4680, s23;
	v18 =	vadd.s32 s29, v6;
	v14 =	vld.idx.msk [tilespmem:v14+s2+$0x0], $0xffff  }
0x140: {  	v12 =	vld.idx.msk [tilespmem:v12+s2+$0x0], $0xffff;
	s5 =	sor.u32 s24, s4  }
0x141: {  	s7 =	sadd.s32 $0x4680, s17;
	v19 =	vld.idx.msk [tilespmem:v22+s2+$0x0], $0xffff;
	s0 =	sor.u32 s25, s4;
	[tilespmem:s5+$0x0] =	vst v15  }
0x142: {  	v21 =	vadd.s32 s26, v7;
	s9 =	sor.u32 s31, s7;
	[tilespmem:s0+$0x0] =	vst v13;
	v15 =	vld.idx.msk [tilespmem:v20+s2+$0x0], $0xffff  }
0x143: {  	s10 =	sadd.s32 $0x4E80, s20;
	s4 =	sor.u32 s1, s7;
	v13 =	vadd.s32 s28, v7;
	v11 =	vld.idx.msk [tilespmem:v11+s2+$0x0], $0xffff;
	[tilespmem:s9+$0x0] =	vst v17  }
0x144: {  	s12 =	sor.u32 s21, s10;
	[tilespmem:s4+$0x0] =	vst v14;
	v17 =	vld.idx.msk [tilespmem:v18+s2+$0x0], $0xffff  }
0x145: {  	s11 =	sor.u32 s22, s10;
	[tilespmem:s12+$0x0] =	vst v12;
	s16 =	sadd.s32 $0x4E80, s23;
	v14 =	vadd.s32 s29, v7;
	v16 =	vld.idx.msk [tilespmem:v16+s2+$0x0], $0xffff  }
0x146: {  	v8 =	vld.idx.msk [tilespmem:v8+s2+$0x0], $0xffff;
	s26 =	sor.u32 s24, s16;
	[tilespmem:s11+$0x0] =	vst v19  }
0x147: {  	s7 =	sadd.s32 $0x4E80, s17;
	s5 =	sor.u32 s25, s16;
	v18 =	vld.idx.msk [tilespmem:v21+s2+$0x0], $0xffff;
	[tilespmem:s26+$0x0] =	vst v15  }
0x148: {  	s9 =	sor.u32 s31, s7;
	[tilespmem:s5+$0x0] =	vst v11;
	v12 =	vld.idx.msk [tilespmem:v13+s2+$0x0], $0xffff  }
0x149: {  	s10 =	sadd.s32 $0x5680, s20;
	s11 =	sor.u32 s1, s7;
	v9 =	vld.idx.msk [tilespmem:v9+s2+$0x0], $0xffff;
	[tilespmem:s9+$0x0] =	vst v17  }
0x14a: {  	s12 =	simm.s32 $0x0;
	s21 =	sor.u32 s21, s10;
	[tilespmem:s11+$0x0] =	vst v16;
	v11 =	vld.idx.msk [tilespmem:v14+s2+$0x0], $0xffff  }
0x14b: {  	s20 =	sand.u32 $0xE, s12;
	[tilespmem:s21+$0x0] =	vst v8;
	s16 =	sor.u32 s22, s10;
	s22 =	sadd.s32 $0x5680, s23;
	v10 =	vld.idx.msk [tilespmem:v10+s2+$0x0], $0xffff  }
0x14c: {  	s23 =	sor.u32 $0x1, s20;
	s24 =	sor.u32 s24, s22;
	[tilespmem:s16+$0x0] =	vst v18  }
0x14d: {  	s10 =	sadd.s32 $0x5680, s17;
	s26 =	ssub.s32 s8, s23;
	s5 =	sor.u32 s25, s22;
	[tilespmem:s24+$0x0] =	vst v12  }
0x14e: {  	s9 =	smul.u32 $0x1F, s26;
	s11 =	sor.u32 s31, s10;
	[tilespmem:s5+$0x0] =	vst v9  }
0x14f: {  	s12 =	sor.u32 s1, s10;
	[tilespmem:s11+$0x0] =	vst v11  }
0x150: {  	s0 =	ssub.s32 s8, s20;
	s26 =	sadd.s32 $0x1E8, s9;
	[tilespmem:s12+$0x0] =	vst v10  }
0x151: {  	s0 =	smul.u32 $0x1F, s0;
	s16 =	simm.s32 $0x1E80;
	v8 =	vadd.s32 s26, v0;
	s1 =	rddreg [dreg:$0x6]  }
0x152: {  	[hbm4b:s1+s14] =	stream.strided.scatter [tilespmem:s16], [sflag:$0x1], $0x4000, s15, s14, $0x38;
	[tilespmem:$0x9E80] =	vst v63  }
0x153: {  	s0 =	sadd.s32 $0x1E8, s0;
	_ =	swait.ge [sflag:s18], $0x4000  }
0x154: {  	v9 =	vadd.s32 s0, v0;
	[sflag:s18] =	ssyncset.done $0x0  }
0x155: {  	[sflag:s18] =	ssyncadd.s32 $0xFFFFC000  }
0x156: {  	s17 =	simm.s32 $0x0;
	v8 =	vld.idx.msk [tilespmem:v8+s2+$0x0], $0xffff  }
0x157: {  	s21 =	sand.u32 $0x400, s17;
	v10 =	vadd.s32 s26, v1  }
0x158: {  	s20 =	sadd.s32 $0x0, s21;
	s22 =	sshll.u32 s23, $0x4  }
0x159: {  	s23 =	sadd.s32 $0x5E80, s20;
	s22 =	sand.u32 $0x70, s22;
	v9 =	vld.idx.msk [tilespmem:v9+s2+$0x0], $0xffff  }
0x15a: {  	s4 =	sor.u32 s22, s23;
	s24 =	simm.s32 $0x2;
	v11 =	vadd.s32 s0, v1  }
0x15b: {  	s25 =	sand.u32 $0xE, s24;
	[tilespmem:s4+$0x0] =	vst v8  }
0x15c: {  	s21 =	sand.u32 $0x60, s17;
	s7 =	sor.u32 $0x1, s25;
	v8 =	vld.idx.msk [tilespmem:v10+s2+$0x0], $0xffff  }
0x15d: {  	s9 =	ssub.s32 s8, s7;
	s1 =	sor.u32 s21, s23;
	v10 =	vadd.s32 s26, v2  }
0x15e: {  	s10 =	ssub.s32 s8, s25;
	s11 =	smul.u32 $0x1F, s9;
	[tilespmem:s1+$0x0] =	vst v9  }
0x15f: {  	s12 =	sadd.s32 $0x6680, s20;
	s1 =	smul.u32 $0x1F, s10;
	v9 =	vld.idx.msk [tilespmem:v11+s2+$0x0], $0xffff  }
0x160: {  	s28 =	sadd.s32 $0x1E8, s11;
	s16 =	sor.u32 s22, s12;
	v11 =	vadd.s32 s0, v2  }
0x161: {  	v12 =	vadd.s32 s28, v0;
	s1 =	sadd.s32 $0x1E8, s1;
	[tilespmem:s16+$0x0] =	vst v8  }
0x162: {  	v8 =	vadd.s32 s1, v0;
	v10 =	vld.idx.msk [tilespmem:v10+s2+$0x0], $0xffff  }
0x163: {  	v13 =	vadd.s32 s26, v3;
	s17 =	sor.u32 s21, s12  }
0x164: {  	[tilespmem:s17+$0x0] =	vst v9  }
0x165: {  	s23 =	sadd.s32 $0x6E80, s20;
	v9 =	vld.idx.msk [tilespmem:v11+s2+$0x0], $0xffff  }
0x166: {  	s25 =	simm.s32 $0x100;
	s24 =	sor.u32 s22, s23;
	v12 =	vld.idx.msk [tilespmem:v12+s2+$0x0], $0xffff;
	v11 =	vadd.s32 s0, v3  }
0x167: {  	s30 =	simm.s32 $0x4;
	s9 =	sand.u32 $0x400, s25;
	v14 =	vadd.s32 s28, v1;
	v8 =	vld.idx.msk [tilespmem:v8+s2+$0x0], $0xffff;
	[tilespmem:s24+$0x0] =	vst v10  }
0x168: {  	s4 =	sor.u32 s21, s23;
	s23 =	sadd.s32 $0x0, s9;
	s9 =	sshll.u32 s7, $0x4;
	v10 =	vadd.s32 s1, v1;
	v13 =	vld.idx.msk [tilespmem:v13+s2+$0x0], $0xffff  }
0x169: {  	v15 =	vadd.s32 s26, v4;
	s10 =	simm.s32 $0x20;
	s11 =	sadd.s32 $0x5E80, s23;
	s24 =	sand.u32 $0x70, s9  }
0x16a: {  	s25 =	sand.u32 $0x60, s10;
	s16 =	sand.u32 $0xE, s30;
	[tilespmem:s4+$0x0] =	vst v9;
	s12 =	sor.u32 s24, s11  }
0x16b: {  	s7 =	sor.u32 s25, s11;
	s17 =	sadd.s32 $0x7680, s20;
	s9 =	sor.u32 $0x1, s16;
	v9 =	vld.idx.msk [tilespmem:v11+s2+$0x0], $0xffff;
	[tilespmem:s12+$0x0] =	vst v12  }
0x16c: {  	v11 =	vadd.s32 s0, v4;
	s11 =	sor.u32 s22, s17;
	s12 =	ssub.s32 s8, s9;
	[tilespmem:s7+$0x0] =	vst v8;
	v8 =	vld.idx.msk [tilespmem:v14+s2+$0x0], $0xffff  }
0x16d: {  	s5 =	ssub.s32 s8, s16;
	v12 =	vadd.s32 s28, v2;
	s16 =	smul.u32 $0x1F, s12;
	v10 =	vld.idx.msk [tilespmem:v10+s2+$0x0], $0xffff;
	[tilespmem:s11+$0x0] =	vst v13  }
0x16e: {  	s5 =	smul.u32 $0x1F, s5;
	v13 =	vadd.s32 s1, v2;
	v14 =	vld.idx.msk [tilespmem:v15+s2+$0x0], $0xffff  }
0x16f: {  	s4 =	sor.u32 s21, s17;
	s17 =	sadd.s32 $0x6680, s23;
	s29 =	sadd.s32 $0x1E8, s16;
	v15 =	vadd.s32 s26, v5  }
0x170: {  	[tilespmem:s4+$0x0] =	vst v9;
	s4 =	sadd.s32 $0x1E8, s5;
	s11 =	sor.u32 s24, s17;
	v9 =	vadd.s32 s29, v0  }
0x171: {  	s12 =	sor.u32 s25, s17;
	s16 =	sadd.s32 $0x7E80, s20;
	v16 =	vld.idx.msk [tilespmem:v11+s2+$0x0], $0xffff;
	v17 =	vadd.s32 s4, v0;
	[tilespmem:s11+$0x0] =	vst v8  }
0x172: {  	v21 =	vadd.s32 s0, v5;
	s17 =	sor.u32 s22, s16;
	[tilespmem:s12+$0x0] =	vst v10;
	v10 =	vld.idx.msk [tilespmem:v12+s2+$0x0], $0xffff  }
0x173: {  	v24 =	vadd.s32 s28, v3;
	v23 =	vld.idx.msk [tilespmem:v13+s2+$0x0], $0xffff;
	[tilespmem:s17+$0x0] =	vst v14  }
0x174: {  	v22 =	vadd.s32 s26, v6;
	s10 =	sadd.s32 $0x6E80, s23;
	v27 =	vadd.s32 s1, v3;
	s7 =	sshll.u32 s9, $0x4;
	v29 =	vld.idx.msk [tilespmem:v15+s2+$0x0], $0xffff  }
0x175: {  	s9 =	sadd.s32 $0x8680, s20;
	s5 =	sor.u32 s21, s16;
	s16 =	simm.s32 $0x200;
	v28 =	vadd.s32 s29, v1;
	v11 =	vadd.s32 s1, v6;
	v20 =	vadd.s32 s4, v1;
	v25 =	vld.idx.msk [tilespmem:v9+s2+$0x0], $0xffff  }
0x176: {  	s31 =	sand.u32 $0x70, s7;
	v19 =	vadd.s32 s4, v2;
	v18 =	vadd.s32 s4, v4;
	v8 =	vadd.s32 s0, v7;
	s12 =	sor.u32 s24, s10;
	[tilespmem:s5+$0x0] =	vst v16;
	v26 =	vld.idx.msk [tilespmem:v17+s2+$0x0], $0xffff;
	s17 =	sand.u32 $0x400, s16  }
0x177: {  	s11 =	sor.u32 s25, s10;
	v12 =	vadd.s32 s0, v6;
	s0 =	simm.s32 $0x40;
	v13 =	vadd.s32 s1, v5;
	v9 =	vadd.s32 s1, v7;
	v21 =	vld.idx.msk [tilespmem:v21+s2+$0x0], $0xffff;
	s17 =	sadd.s32 $0x0, s17;
	[tilespmem:s12+$0x0] =	vst v10  }
0x178: {  	v17 =	vadd.s32 s4, v3;
	v14 =	vadd.s32 s4, v5;
	v15 =	vadd.s32 s1, v4;
	s1 =	sand.u32 $0x60, s0;
	s12 =	sor.u32 s22, s9;
	[tilespmem:s11+$0x0] =	vst v23;
	v23 =	vld.idx.msk [tilespmem:v24+s2+$0x0], $0xffff;
	s11 =	sadd.s32 $0x5E80, s17  }
0x179: {  	v16 =	vadd.s32 s4, v6;
	v10 =	vadd.s32 s4, v7;
	s9 =	sor.u32 s21, s9;
	v24 =	vld.idx.msk [tilespmem:v27+s2+$0x0], $0xffff;
	s5 =	sor.u32 s1, s11;
	s7 =	sor.u32 s31, s11;
	v27 =	vadd.s32 s28, v4;
	[tilespmem:s12+$0x0] =	vst v29  }
.LBB2_8:
0x17a: {  	s30 =	sadd.s32 $0x2, s30;
	[tilespmem:s7+$0x0] =	vst v25;
	s7 =	smov.u32 s21;
	s21 =	smov.u32 s25  }
0x17b: {  	v22 =	vld.idx.msk [tilespmem:v22+s2+$0x0], $0xffff;
	s25 =	smov.u32 s1;
	s1 =	smov.u32 s23;
	s23 =	smov.u32 s17  }
0x17c: {  	s4 =	sand.u32 $0xE, s30;
	p0 =	slt.u32 s30, $0x7E;
	[tilespmem:s5+$0x0] =	vst v26;
	v25 =	vld.idx.msk [tilespmem:v28+s2+$0x0], $0xffff;
	s10 =	sadd.s32 $0x7680, s1  }
0x17d: {  	s11 =	ssub.s32 s8, s4;
	s5 =	sor.u32 $0x1, s4;
	v26 =	vld.idx.msk [tilespmem:v20+s2+$0x0], $0xffff;
	s4 =	sor.u32 s24, s10;
	[tilespmem:s9+$0x0] =	vst v21;
	v21 =	vadd.s32 s26, v7  }
0x17e: {  	v28 =	vadd.s32 s29, v2;
	s10 =	sor.u32 s21, s10;
	s11 =	smul.u32 $0x1F, s11;
	s12 =	ssub.s32 s8, s5;
	[tilespmem:s4+$0x0] =	vst v23;
	v23 =	vld.idx.msk [tilespmem:v12+s2+$0x0], $0xffff;
	v12 =	vmov v11;
	v11 =	vmov v16  }
0x17f: {  	s9 =	sshrl.u32 s30, $0x4;
	s4 =	smul.u32 $0x1F, s12;
	[tilespmem:s10+$0x0] =	vst v24;
	v24 =	vld.idx.msk [tilespmem:v27+s2+$0x0], $0xffff;
	s10 =	sadd.s32 $0x8E80, s20  }
0x180: {  	s17 =	sadd.s32 $0x6680, s23;
	s12 =	sadd.s32 $0x1E8, s9;
	v27 =	vld.idx.msk [tilespmem:v15+s2+$0x0], $0xffff;
	s26 =	sor.u32 s22, s10;
	v15 =	vmov v18  }
0x181: {  	v29 =	vadd.s32 s28, v5;
	s11 =	sadd.s32 s11, s12;
	s4 =	sadd.s32 s4, s12;
	s12 =	sor.u32 s31, s17;
	[tilespmem:s26+$0x0] =	vst v22  }
0x182: {  	s10 =	sor.u32 s7, s10;
	v22 =	vadd.s32 s11, v0;
	v20 =	vadd.s32 s11, v1;
	s17 =	sor.u32 s25, s17;
	s26 =	smov.u32 s28;
	v30 =	vadd.s32 s4, v0;
	[tilespmem:s12+$0x0] =	vst v25;
	v21 =	vld.idx.msk [tilespmem:v21+s2+$0x0], $0xffff  }
0x183: {  	v31 =	vadd.s32 s11, v3;
	v18 =	vadd.s32 s11, v4;
	s28 =	smov.u32 s29;
	v25 =	vadd.s32 s11, v2;
	s12 =	sadd.s32 $0x7E80, s1;
	s29 =	smov.u32 s4;
	[tilespmem:s17+$0x0] =	vst v26;
	v32 =	vld.idx.msk [tilespmem:v28+s2+$0x0], $0xffff  }
0x184: {  	v33 =	vadd.s32 s11, v5;
	v16 =	vadd.s32 s11, v6;
	v26 =	vadd.s32 s11, v7;
	s4 =	sor.u32 s21, s12;
	s11 =	sor.u32 s24, s12;
	v34 =	vld.idx.msk [tilespmem:v19+s2+$0x0], $0xffff;
	[tilespmem:s10+$0x0] =	vst v23;
	v19 =	vmovc v25;
	s10 =	smov.u32 s22  }
0x185: {  	s0 =	sadd.s32 $0x20, s0;
	v23 =	vadd.s32 s28, v3;
	s22 =	smov.u32 s24;
	s24 =	smov.u32 s31;
	[tilespmem:s11+$0x0] =	vst v24;
	v35 =	vld.idx.msk [tilespmem:v8+s2+$0x0], $0xffff;
	v8 =	vmovc v9;
	v9 =	vmov v10;
	v10 =	vmov v26  }
0x186: {  	s16 =	sadd.s32 $0x100, s16;
	[tilespmem:s4+$0x0] =	vst v27;
	v29 =	vld.idx.msk [tilespmem:v29+s2+$0x0], $0xffff;
	s4 =	sadd.s32 $0x9680, s20;
	s20 =	smov.u32 s1  }
0x187: {  	s1 =	sadd.s32 $0x6E80, s23;
	v25 =	vld.idx.msk [tilespmem:v30+s2+$0x0], $0xffff;
	s7 =	sor.u32 s7, s4;
	s4 =	sor.u32 s10, s4  }
.Ltmp3:
0x188: {  	s10 =	sor.u32 s25, s1;
	s11 =	sor.u32 s24, s1;
	v26 =	vld.idx.msk [tilespmem:v22+s2+$0x0], $0xffff;
	v22 =	vadd.s32 s26, v6;
	[tilespmem:s4+$0x0] =	vst v21;
	(pc) =	sbr.rel @p0 .LBB2_8-.Ltmp3, $4  }
0x189: {  	s9 =	sshll.u32 s9, $0x7;
	v28 =	vadd.s32 s29, v1;
	s1 =	sand.u32 $0x60, s0;
	s4 =	sand.u32 $0x400, s16;
	[tilespmem:s11+$0x0] =	vst v32;
	v21 =	vld.idx.msk [tilespmem:v13+s2+$0x0], $0xffff;
	v13 =	vmov v14;
	v14 =	vmov v33  }
0x18a: {  	s17 =	sadd.s32 s9, s4;
	s4 =	sshll.u32 s5, $0x4;
	s9 =	sadd.s32 $0x8680, s20;
	[tilespmem:s10+$0x0] =	vst v34;
	v23 =	vld.idx.msk [tilespmem:v23+s2+$0x0], $0xffff  }
0x18b: {  	s10 =	sadd.s32 $0x5E80, s17;
	s31 =	sand.u32 $0x70, s4;
	s4 =	sor.u32 s22, s9;
	v24 =	vld.idx.msk [tilespmem:v17+s2+$0x0], $0xffff;
	[tilespmem:s7+$0x0] =	vst v35;
	v17 =	vmov v31  }
0x18c: {  	v27 =	vadd.s32 s28, v4;
	s9 =	sor.u32 s21, s9;
	s5 =	sor.u32 s1, s10;
	s7 =	sor.u32 s31, s10;
	[tilespmem:s4+$0x0] =	vst v29  }
0x18d: {  	_ =	sdelay $0x2  }
0x18e: {  	[tilespmem:s7+$0x0] =	vst v25  }
0x18f: {  	[tilespmem:s5+$0x0] =	vst v26;
	v25 =	vld.idx.msk [tilespmem:v28+s2+$0x0], $0xffff  }
0x190: {  	v46 =	vadd.s32 s29, v2;
	v20 =	vld.idx.msk [tilespmem:v20+s2+$0x0], $0xffff;
	_ =	sdelay $0x1  }
0x191: {  	s0 =	sadd.s32 $0x6680, s17  }
0x192: {  	s4 =	sor.u32 s31, s0  }
0x193: {  	s0 =	sor.u32 s1, s0;
	[tilespmem:s4+$0x0] =	vst v25  }
0x194: {  	[tilespmem:s0+$0x0] =	vst v20;
	v47 =	vld.idx.msk [tilespmem:v46+s2+$0x0], $0xffff  }
0x195: {  	v48 =	vadd.s32 s29, v3;
	v19 =	vld.idx.msk [tilespmem:v19+s2+$0x0], $0xffff;
	_ =	sdelay $0x1  }
0x196: {  	s4 =	sadd.s32 $0x6E80, s17  }
0x197: {  	s5 =	sor.u32 s31, s4  }
0x198: {  	s0 =	sor.u32 s1, s4;
	[tilespmem:s5+$0x0] =	vst v47  }
0x199: {  	s7 =	sadd.s32 $0x7680, s23;
	[tilespmem:s0+$0x0] =	vst v19;
	v49 =	vld.idx.msk [tilespmem:v48+s2+$0x0], $0xffff  }
0x19a: {  	v50 =	vadd.s32 s29, v4;
	s10 =	sor.u32 s24, s7;
	v17 =	vld.idx.msk [tilespmem:v17+s2+$0x0], $0xffff  }
0x19b: {  	[tilespmem:s10+$0x0] =	vst v23  }
0x19c: {  	s11 =	sadd.s32 $0x7680, s17;
	v23 =	vld.idx.msk [tilespmem:v27+s2+$0x0], $0xffff;
	s0 =	sor.u32 s25, s7  }
0x19d: {  	v51 =	vadd.s32 s28, v5;
	s12 =	sor.u32 s31, s11;
	[tilespmem:s0+$0x0] =	vst v24  }
0x19e: {  	s4 =	sor.u32 s1, s11;
	v15 =	vld.idx.msk [tilespmem:v15+s2+$0x0], $0xffff;
	[tilespmem:s12+$0x0] =	vst v49  }
0x19f: {  	s16 =	sadd.s32 $0x7E80, s23;
	[tilespmem:s4+$0x0] =	vst v17;
	v52 =	vld.idx.msk [tilespmem:v50+s2+$0x0], $0xffff  }
0x1a0: {  	v53 =	vadd.s32 s29, v5;
	s30 =	sor.u32 s24, s16;
	v18 =	vld.idx.msk [tilespmem:v18+s2+$0x0], $0xffff  }
0x1a1: {  	[tilespmem:s30+$0x0] =	vst v23  }
0x1a2: {  	v54 =	vld.idx.msk [tilespmem:v51+s2+$0x0], $0xffff;
	s5 =	sadd.s32 $0x7E80, s17;
	s0 =	sor.u32 s25, s16  }
0x1a3: {  	v55 =	vadd.s32 s28, v6;
	s7 =	sor.u32 s31, s5;
	[tilespmem:s0+$0x0] =	vst v15  }
0x1a4: {  	s4 =	sor.u32 s1, s5;
	v13 =	vld.idx.msk [tilespmem:v13+s2+$0x0], $0xffff;
	[tilespmem:s7+$0x0] =	vst v52  }
0x1a5: {  	s10 =	sadd.s32 $0x8680, s23;
	[tilespmem:s4+$0x0] =	vst v18;
	v17 =	vld.idx.msk [tilespmem:v53+s2+$0x0], $0xffff  }
0x1a6: {  	v56 =	vadd.s32 s29, v6;
	s11 =	sor.u32 s24, s10;
	v14 =	vld.idx.msk [tilespmem:v14+s2+$0x0], $0xffff  }
0x1a7: {  	v57 =	vld.idx.msk [tilespmem:v22+s2+$0x0], $0xffff;
	[tilespmem:s11+$0x0] =	vst v54  }
0x1a8: {  	v58 =	vadd.s32 s26, v7;
	[tilespmem:s9+$0x0] =	vst v21;
	s12 =	sadd.s32 $0x8680, s17;
	s0 =	sor.u32 s25, s10;
	v15 =	vld.idx.msk [tilespmem:v55+s2+$0x0], $0xffff  }
0x1a9: {  	v59 =	vadd.s32 s28, v7;
	v12 =	vld.idx.msk [tilespmem:v12+s2+$0x0], $0xffff;
	s16 =	sor.u32 s31, s12;
	[tilespmem:s0+$0x0] =	vst v13  }
0x1aa: {  	s26 =	sadd.s32 $0x8E80, s20;
	s4 =	sor.u32 s1, s12;
	v11 =	vld.idx.msk [tilespmem:v11+s2+$0x0], $0xffff;
	[tilespmem:s16+$0x0] =	vst v17  }
0x1ab: {  	s30 =	sor.u32 s22, s26;
	s5 =	sadd.s32 $0x8E80, s23;
	[tilespmem:s4+$0x0] =	vst v14;
	v17 =	vld.idx.msk [tilespmem:v56+s2+$0x0], $0xffff  }
0x1ac: {  	v60 =	vadd.s32 s29, v7;
	[tilespmem:s30+$0x0] =	vst v57;
	s7 =	sor.u32 s24, s5;
	v16 =	vld.idx.msk [tilespmem:v16+s2+$0x0], $0xffff  }
0x1ad: {  	v61 =	vld.idx.msk [tilespmem:v58+s2+$0x0], $0xffff;
	[tilespmem:s7+$0x0] =	vst v15;
	s4 =	sor.u32 s21, s26  }
0x1ae: {  	s9 =	sor.u32 s25, s5;
	s10 =	sadd.s32 $0x8E80, s17;
	v62 =	vld.idx.msk [tilespmem:v59+s2+$0x0], $0xffff;
	[tilespmem:s4+$0x0] =	vst v12  }
0x1af: {  	s11 =	sor.u32 s31, s10;
	[tilespmem:s9+$0x0] =	vst v11;
	v8 =	vld.idx.msk [tilespmem:v8+s2+$0x0], $0xffff  }
0x1b0: {  	s12 =	sadd.s32 $0x9680, s20;
	s16 =	sor.u32 s1, s10;
	v9 =	vld.idx.msk [tilespmem:v9+s2+$0x0], $0xffff;
	[tilespmem:s11+$0x0] =	vst v17  }
0x1b1: {  	s23 =	sadd.s32 $0x9680, s23;
	s20 =	sor.u32 s22, s12;
	[tilespmem:s16+$0x0] =	vst v16;
	v63 =	vld.idx.msk [tilespmem:v60+s2+$0x0], $0xffff  }
0x1b2: {  	[tilespmem:s20+$0x0] =	vst v61;
	s26 =	sor.u32 s24, s23;
	v10 =	vld.idx.msk [tilespmem:v10+s2+$0x0], $0xffff  }
0x1b3: {  	s22 =	sor.u32 s21, s12;
	[tilespmem:s26+$0x0] =	vst v62  }
0x1b4: {  	s28 =	sadd.s32 $0x9680, s17;
	s4 =	sor.u32 s25, s23;
	[tilespmem:s22+$0x0] =	vst v8  }
0x1b5: {  	s29 =	sor.u32 s31, s28;
	[tilespmem:s4+$0x0] =	vst v9  }
0x1b6: {  	s0 =	sor.u32 s1, s28;
	[tilespmem:s29+$0x0] =	vst v63  }
0x1b7: {  	[tilespmem:s0+$0x0] =	vst v10  }
0x1b8: {  	s30 =	simm.s32 $0x5E80;
	s0 =	rddreg [dreg:$0x7]  }
0x1b9: {  	[hbm4b:s0+s14] =	stream.strided.scatter [tilespmem:s30], [sflag:$0x2], $0x4000, s15, s14, $0x38;
	[tilespmem:$0x9E80] =	vst v63  }
0x1ba: {  	_ =	swait.ge [sflag:s13], $0x4000  }
0x1bb: {  	[sflag:s13] =	ssyncset.done $0x0  }
0x1bc: {  	[sflag:s13] =	ssyncadd.s32 $0xFFFFC000  }
0x1bd: {  	_ =	swait.ge [sflag:s18], $0x4000  }
0x1be: {  	s19 =	sadd.s32 $0x1, s19;
	s31 =	rddreg [dreg:$0x8]  }
0x1bf: {  	p0 =	sne.s32 s19, s31  }
.Ltmp4:
0x1c0: {  	_ = 	snop;
	(pc) =	sbr.rel @p0 .LBB2_1-.Ltmp4, $3  }
0x1c1: {  	_ =	sdelay $0x1  }
0x1c2: {  	[sflag:s18] =	ssyncset.done $0x0  }
0x1c3: {  	[sflag:s18] =	ssyncadd.s32 $0xFFFFC000  }
0x1c4: {  	_ =	sfence.sel $0x180000  }
0x1c5: {  	[bflag:$0x0] =	sbarrier.arrive $0xFFFF  }
0x1c6: {  	_ =	strace $0x90000047  }
0x1c7: {  	s0 =	stileid.u32;
	[bflag:$0x2] =	sbarrier.arrive $0xFFFF  }
0x1c8: {  	p0 =	sne.s32 s0, $0x0;
	s0 =	rddreg [dreg:$0x2]  }
0x1c9: {  	s0 =	sadd.s32 @!p0 $0x100000, s0  }
0x1ca: {  	[sflag:s0] =	ssyncadd.tile.s32 @!p0 $0x1;
	_ =	shalt  }
.Lfunc_end2:
_tile_overlayer_lowered:
.L_overlay_start_2:
0x1cb: {  	(tag) =	ssettag $0x2  }
0x1cc: {  	s0 =	rddreg [dreg:$0x0];
	s2 =	stileid.u32  }
0x1cd: {  	s1 =	rddreg [dreg:$0x1];
	p0 =	sne.s32 s2, $0x0  }
0x1ce: {  	s3 =	rddreg [dreg:$0x2];
	[bflag:$0x3] =	sbarrier.arrive $0xFFFF;
	s2 =	simm.s32 @!p0 $0x1C03  }
0x1cf: {  	[timem:s3], [sflag:s2] =	dma.local @!p0 [hbm:s0], s1  }
0x1d0: {  	s0 =	simm.s32 @!p0 $0x3  }
0x1d1: {  	_ =	swait.ge @!p0 [sflag:s0], s1  }
0x1d2: {  	s1 =	ssub.s32 @!p0 $0x0, s1;
	[sflag:s0] =	ssyncset.done @!p0 $0x0  }
0x1d3: {  	[sflag:s0] =	ssyncadd.s32 @!p0 s1  }
0x1d4: {  	[bflag:$0x3] =	sbarrier.arrive $0xFFFF  }
0x1d5: {  	_ =	shalt  }

</sc_bundles>
